<compile_context>
chip_gen: v7x
topology: tpu7x:2x2x1
jax: 0.10.2.dev20260603
libtpu: 0.0.44.dev20260713+nightly
codegen_flags: <defaults>
</compile_context>

<pallas_src>
import functools
import math

import jax
import jax.numpy as jnp
from jax import lax
from jax.experimental import pallas as pl
from jax.experimental.pallas import tpu as pltpu
from jax.experimental.pallas import tpu_sc as plsc

N = 10000
E = 320000
GB = 64
LINKS = 100000
S = 12
NTILES = 32
EPT = E // NTILES
K = 80
NCH = EPT // K
S0 = 640
SL = N - 15 * S0
KD = 200
NCHD = EPT // KD
GNP = 10240
EPS = 1e-5

_mesh = lambda: plsc.VectorSubcoreMesh(core_axis_name="c", subcore_axis_name="s")



@functools.partial(jax.jit, static_argnames=("T",))
def _sc_agg_multi(table, src, dst, zeros_stripe, T):
    dt = table.dtype

    @functools.partial(
        pl.kernel,
        out_type=jax.ShapeDtypeStruct((2 * T * N, 128), dt),
        mesh=_mesh(),
        scratch_types=[
            pltpu.VMEM((K,), jnp.int32),
            pltpu.VMEM((K,), jnp.int32),
            pltpu.VMEM((K,), jnp.int32),
            pltpu.VMEM((K,), jnp.int32),
            pltpu.VMEM((K, 128), dt),
            pltpu.VMEM((K, 128), dt),
            pltpu.VMEM_SHARED((N, 128), dt),
            pltpu.SemaphoreType.DMA,
            pltpu.SemaphoreType.DMA,
        ],
    )
    def k(tab_hbm, src_hbm, dst_hbm, z_hbm, out_hbm,
          s0, s1, d0, d1, r0, r1, acc, sem0, sem1):
        c = lax.axis_index("c")
        s = lax.axis_index("s")
        w = c * 16 + s

        def zero_acc():
            @pl.when(s < 15)
            def _():
                pltpu.sync_copy(z_hbm, acc.at[pl.ds(s * S0, S0)])

            @pl.when(s == 15)
            def _():
                pltpu.sync_copy(z_hbm.at[pl.ds(0, SL)],
                                acc.at[pl.ds(15 * S0, SL)])

        def dump_acc(obase):
            @pl.when(s < 15)
            def _():
                pltpu.sync_copy(acc.at[pl.ds(s * S0, S0)],
                                out_hbm.at[pl.ds(obase + s * S0, S0)])

            @pl.when(s == 15)
            def _():
                pltpu.sync_copy(acc.at[pl.ds(15 * S0, SL)],
                                out_hbm.at[pl.ds(obase + 15 * S0, SL)])

        def load_idx(sbuf, dbuf, tshift, i):
            pltpu.sync_copy(src_hbm.at[pl.ds(w * EPT + i * K, K)], sbuf)
            pltpu.sync_copy(dst_hbm.at[pl.ds(w * EPT + i * K, K)], dbuf)
            if T > 1:
                for u in range(K // 16):
                    sl_ = pl.ds(u * 16, 16)
                    sbuf[sl_] = sbuf[sl_] + tshift

        def gather(sbuf, rbuf, sem):
            pltpu.async_copy(tab_hbm.at[sbuf], rbuf, sem)

        def waitg(rbuf, sem):
            pltpu.make_async_copy(tab_hbm.at[s0], rbuf, sem).wait()

        def scatter(dbuf, rbuf):
            pltpu.sync_copy(rbuf, acc.at[dbuf], add=True)

        def step(t, carry):
            tshift = jnp.full((16,), t * N, jnp.int32)
            zero_acc()
            plsc.subcore_barrier()
            load_idx(s0, d0, tshift, 0)
            gather(s0, r0, sem0)

            def pair(j, carry2):
                i0 = 2 * j
                i1 = i0 + 1

                @pl.when(i1 < NCH)
                def _():
                    load_idx(s1, d1, tshift, i1)
                    gather(s1, r1, sem1)

                waitg(r0, sem0)
                scatter(d0, r0)

                @pl.when(i1 + 1 < NCH)
                def _():
                    load_idx(s0, d0, tshift, i1 + 1)
                    gather(s0, r0, sem0)

                @pl.when(i1 < NCH)
                def _():
                    waitg(r1, sem1)
                    scatter(d1, r1)

                return carry2

            lax.fori_loop(0, (NCH + 1) // 2, pair, 0)
            plsc.subcore_barrier()
            dump_acc(c * (T * N) + t * N)
            plsc.subcore_barrier()
            return carry

        lax.fori_loop(0, T, step, 0)

    return k(table, src, dst, zeros_stripe)


@jax.jit
def _sc_degrees(src, dst, ones_rows, zeros_stripe):

    @functools.partial(
        pl.kernel,
        out_type=(
            jax.ShapeDtypeStruct((2 * N, 128), jnp.float32),
            jax.ShapeDtypeStruct((2 * N, 128), jnp.float32),
        ),
        mesh=_mesh(),
        scratch_types=[
            pltpu.VMEM((KD,), jnp.int32),
            pltpu.VMEM((KD, 128), jnp.float32),
            pltpu.VMEM_SHARED((N, 128), jnp.float32),
        ],
    )
    def k(src_hbm, dst_hbm, ones_hbm, z_hbm, oo_hbm, oi_hbm,
          idx_v, ones_v, acc):
        c = lax.axis_index("c")
        s = lax.axis_index("s")
        base = (c * 16 + s) * EPT

        def zero_acc():
            @pl.when(s < 15)
            def _():
                pltpu.sync_copy(z_hbm, acc.at[pl.ds(s * S0, S0)])

            @pl.when(s == 15)
            def _():
                pltpu.sync_copy(z_hbm.at[pl.ds(0, SL)],
                                acc.at[pl.ds(15 * S0, SL)])

        def dump_acc(out_hbm):
            @pl.when(s < 15)
            def _():
                pltpu.sync_copy(acc.at[pl.ds(s * S0, S0)],
                                out_hbm.at[pl.ds(c * N + s * S0, S0)])

            @pl.when(s == 15)
            def _():
                pltpu.sync_copy(acc.at[pl.ds(15 * S0, SL)],
                                out_hbm.at[pl.ds(c * N + 15 * S0, SL)])

        pltpu.sync_copy(ones_hbm, ones_v)
        zero_acc()
        plsc.subcore_barrier()

        def pass_over(idx_hbm, out_hbm, needs_rezero):
            def body(i, carry):
                pltpu.sync_copy(idx_hbm.at[pl.ds(base + i * KD, KD)], idx_v)
                pltpu.sync_copy(ones_v, acc.at[idx_v], add=True)
                return carry

            lax.fori_loop(0, NCHD, body, 0)
            plsc.subcore_barrier()
            dump_acc(out_hbm)
            if needs_rezero:
                zero_acc()
                plsc.subcore_barrier()

        pass_over(src_hbm, oo_hbm, True)
        pass_over(dst_hbm, oi_hbm, False)

    oo, oi = k(src, dst, ones_rows, zeros_stripe)
    return oo.reshape(2, N, 128), oi.reshape(2, N, 128)


@functools.partial(jax.jit, static_argnames=("F",))
def _sc_gather(table, idx, F):
    BPT = GNP // NTILES

    @functools.partial(
        pl.kernel,
        out_type=jax.ShapeDtypeStruct((GNP, F), jnp.float32),
        mesh=_mesh(),
        scratch_types=[
            pltpu.VMEM((BPT,), jnp.int32),
            pltpu.VMEM((BPT, F), jnp.float32),
            pltpu.SemaphoreType.DMA,
        ],
    )
    def k(table_hbm, idx_hbm, out_hbm, idx_v, rows_v, sem):
        c = lax.axis_index("c")
        s = lax.axis_index("s")
        base = (c * 16 + s) * BPT
        pltpu.sync_copy(idx_hbm.at[pl.ds(base, BPT)], idx_v)
        pltpu.async_copy(table_hbm.at[idx_v], rows_v, sem).wait()
        pltpu.sync_copy(rows_v, out_hbm.at[pl.ds(base, BPT)])

    return k(table, idx)



def _gelu(x):
    return 0.5 * x * (1.0 + lax.erf(x * (1.0 / math.sqrt(2.0))))


def _bn_stats(x, rb):
    R, C = x.shape

    def body(x_ref, s1_ref, s2_ref):
        i = pl.program_id(0)
        xb = x_ref[...]
        ps = jnp.sum(xb, axis=0, keepdims=True)
        pss = jnp.sum(xb * xb, axis=0, keepdims=True)

        @pl.when(i == 0)
        def _():
            s1_ref[...] = ps
            s2_ref[...] = pss

        @pl.when(i > 0)
        def _():
            s1_ref[...] += ps
            s2_ref[...] += pss

    return pl.pallas_call(
        body,
        grid=(R // rb,),
        in_specs=[pl.BlockSpec((rb, C), lambda i: (i, 0))],
        out_specs=(pl.BlockSpec((1, C), lambda i: (0, 0)),
                   pl.BlockSpec((1, C), lambda i: (0, 0))),
        out_shape=(jax.ShapeDtypeStruct((1, C), jnp.float32),
                   jax.ShapeDtypeStruct((1, C), jnp.float32)),
    )(x)


def _bn_stats_fold(x, rb, H):
    R, C = x.shape

    def body(x_ref, s1_ref, s2_ref):
        i = pl.program_id(0)
        xb = x_ref[...]
        ps = jnp.zeros((1, 128), jnp.float32)
        pss = jnp.zeros((1, 128), jnp.float32)
        for h in range(H):
            blk = xb[:, h * 128:(h + 1) * 128]
            ps = ps + jnp.sum(blk, axis=0, keepdims=True)
            pss = pss + jnp.sum(blk * blk, axis=0, keepdims=True)

        @pl.when(i == 0)
        def _():
            s1_ref[...] = ps
            s2_ref[...] = pss

        @pl.when(i > 0)
        def _():
            s1_ref[...] += ps
            s2_ref[...] += pss

    return pl.pallas_call(
        body,
        grid=(R // rb,),
        in_specs=[pl.BlockSpec((rb, C), lambda i: (i, 0))],
        out_specs=(pl.BlockSpec((1, 128), lambda i: (0, 0)),
                   pl.BlockSpec((1, 128), lambda i: (0, 0))),
        out_shape=(jax.ShapeDtypeStruct((1, 128), jnp.float32),
                   jax.ShapeDtypeStruct((1, 128), jnp.float32)),
    )(x)


def _bn_apply_T(x, s1, s2, rb, H, n_rows, scale=None,
                want_plain=True, want_scaled=False,
                scaled_dtype=jnp.float32):
    R, C = x.shape
    nb = R // rb
    with_scale = scale is not None

    def body(*refs):
        it = iter(refs)
        x_ref = next(it)
        s1_ref = next(it)
        s2_ref = next(it)
        sc_ref = next(it) if with_scale else None
        outs = [next(it) for _ in range(int(want_plain) + int(want_scaled))]
        m = s1_ref[...] / n_rows
        v = s2_ref[...] / n_rows - m * m
        y = (x_ref[...] - m) * lax.rsqrt(v + EPS)
        oi = 0
        if want_plain:
            outs[oi][...] = y
            oi += 1
        if want_scaled:
            outs[oi][...] = (y * sc_ref[...]).astype(scaled_dtype)

    in_specs = [pl.BlockSpec((rb, 128), lambda i, h: (i, h)),
                pl.BlockSpec((1, 128), lambda i, h: (0, h)),
                pl.BlockSpec((1, 128), lambda i, h: (0, h))]
    args = [x, s1, s2]
    if with_scale:
        in_specs.append(pl.BlockSpec((rb, 1), lambda i, h: (i, 0)))
        args.append(scale)
    ospec = pl.BlockSpec((rb, 128), lambda i, h: (h * nb + i, 0))
    out_specs, out_shape = [], []
    if want_plain:
        out_specs.append(ospec)
        out_shape.append(jax.ShapeDtypeStruct((H * R, 128), jnp.float32))
    if want_scaled:
        out_specs.append(ospec)
        out_shape.append(jax.ShapeDtypeStruct((H * R, 128), scaled_dtype))
    outs = pl.pallas_call(
        body,
        grid=(nb, H),
        in_specs=in_specs,
        out_specs=tuple(out_specs),
        out_shape=tuple(out_shape),
    )(*args)
    return outs


def _mm(x0, W, b, rb, rows=None, x1=None, x1_boff=0, pre=None, post=None,
        res=None, act=True, out_dtype=jnp.float32):
    R = rows if rows is not None else x0.shape[0]
    Kd = x0.shape[1]
    M = W.shape[1]
    f_x1, f_pre, f_post, f_res = (x1 is not None, pre is not None,
                                  post is not None, res is not None)

    def body(*refs):
        it = iter(refs)
        x_ref = next(it)
        x1_ref = next(it) if f_x1 else None
        W_ref = next(it)
        b_ref = next(it)
        pre_ref = next(it) if f_pre else None
        post_ref = next(it) if f_post else None
        res_ref = next(it) if f_res else None
        o_ref = next(it)
        x = x_ref[...].astype(jnp.float32)
        if f_x1:
            x = x + x1_ref[...].astype(jnp.float32)
        if f_pre:
            x = x * pre_ref[...]
        y = jnp.dot(x, W_ref[...], preferred_element_type=jnp.float32) + b_ref[...]
        if act:
            y = _gelu(y)
        if f_post:
            y = y * post_ref[...]
        if f_res:
            y = y + res_ref[...]
        o_ref[...] = y.astype(out_dtype)

    in_specs = [pl.BlockSpec((rb, Kd), lambda i: (i, 0))]
    args = [x0]
    if f_x1:
        off = x1_boff
        in_specs.append(pl.BlockSpec((rb, Kd), lambda i: (i + off, 0)))
        args.append(x1)
    in_specs += [pl.BlockSpec((Kd, M), lambda i: (0, 0)),
                 pl.BlockSpec((1, M), lambda i: (0, 0))]
    args += [W, b.reshape(1, M)]
    if f_pre:
        in_specs.append(pl.BlockSpec((rb, 1), lambda i: (i, 0)))
        args.append(pre)
    if f_post:
        in_specs.append(pl.BlockSpec((rb, 1), lambda i: (i, 0)))
        args.append(post)
    if f_res:
        in_specs.append(pl.BlockSpec((rb, M), lambda i: (i, 0)))
        args.append(res)
    return pl.pallas_call(
        body,
        grid=(R // rb,),
        in_specs=in_specs,
        out_specs=pl.BlockSpec((rb, M), lambda i: (i, 0)),
        out_shape=jax.ShapeDtypeStruct((R, M), out_dtype),
    )(*args)


def _mm_k256(agg, W, b, rb, pre, post):
    nb = N // rb

    def body(x0a_ref, x0b_ref, x1a_ref, x1b_ref, w_ref, b_ref,
             pre_ref, post_ref, o_ref):
        t0 = (x0a_ref[...] + x0b_ref[...]) * pre_ref[...]
        t1 = (x1a_ref[...] + x1b_ref[...]) * pre_ref[...]
        w = w_ref[...]
        y = (jnp.dot(t0, w[0:128, :], preferred_element_type=jnp.float32)
             + jnp.dot(t1, w[128:256, :], preferred_element_type=jnp.float32)
             + b_ref[...])
        o_ref[...] = _gelu(y) * post_ref[...]

    return pl.pallas_call(
        body,
        grid=(nb,),
        in_specs=[pl.BlockSpec((rb, 128), lambda i: (i, 0)),
                  pl.BlockSpec((rb, 128), lambda i: (i + 2 * nb, 0)),
                  pl.BlockSpec((rb, 128), lambda i: (i + nb, 0)),
                  pl.BlockSpec((rb, 128), lambda i: (i + 3 * nb, 0)),
                  pl.BlockSpec((256, 128), lambda i: (0, 0)),
                  pl.BlockSpec((1, 128), lambda i: (0, 0)),
                  pl.BlockSpec((rb, 1), lambda i: (i, 0)),
                  pl.BlockSpec((rb, 1), lambda i: (i, 0))],
        out_specs=pl.BlockSpec((rb, 128), lambda i: (i, 0)),
        out_shape=jax.ShapeDtypeStruct((N, 128), jnp.float32),
    )(agg, agg, agg, agg, W, b.reshape(1, -1), pre, post)


def _pick_half(rows, parity, rb):
    R = rows.shape[0]

    def body(r_ref, p_ref, o_ref):
        o_ref[...] = jnp.where(p_ref[...] > 0, r_ref[:, 64:128], r_ref[:, 0:64])

    return pl.pallas_call(
        body,
        grid=(R // rb,),
        in_specs=[pl.BlockSpec((rb, 128), lambda i: (i, 0)),
                  pl.BlockSpec((rb, 1), lambda i: (i, 0))],
        out_specs=pl.BlockSpec((rb, 64), lambda i: (i, 0)),
        out_shape=jax.ShapeDtypeStruct((R, 64), jnp.float32),
    )(rows, parity)


def _deg_scale(a0, a1):
    R = a0.shape[0]
    rb = 1000

    def body(a_ref, b_ref, o_ref):
        o_ref[...] = lax.rsqrt(jnp.maximum(a_ref[...] + b_ref[...], 1.0))

    return pl.pallas_call(
        body,
        grid=(R // rb,),
        in_specs=[pl.BlockSpec((rb, 1), lambda i: (i, 0)),
                  pl.BlockSpec((rb, 1), lambda i: (i, 0))],
        out_specs=pl.BlockSpec((rb, 1), lambda i: (i, 0)),
        out_shape=jax.ShapeDtypeStruct((R, 1), jnp.float32),
    )(a0, a1)


def _rowscale(x, sc, rb):
    R, C = x.shape

    def body(x_ref, s_ref, o_ref):
        o_ref[...] = x_ref[...] * s_ref[...]

    return pl.pallas_call(
        body,
        grid=(R // rb,),
        in_specs=[pl.BlockSpec((rb, C), lambda i: (i, 0)),
                  pl.BlockSpec((rb, 1), lambda i: (i, 0))],
        out_specs=pl.BlockSpec((rb, C), lambda i: (i, 0)),
        out_shape=jax.ShapeDtypeStruct((R, C), jnp.float32),
    )(x, sc)


def _lstm(x, WihT, WhhT, bias, H, rb, want_seq, want_mean, res=None,
          layout="ns"):
    if layout == "ns":
        B, S_, I = x.shape
    else:
        S_, B, I = x.shape
    f_res = res is not None

    def body(*refs):
        it = iter(refs)
        x_ref = next(it)
        wi_ref = next(it)
        wh_ref = next(it)
        b_ref = next(it)
        res_ref = next(it) if f_res else None
        outs = [next(it) for _ in range(int(want_seq) + int(want_mean))]
        h = jnp.zeros((rb, H), jnp.float32)
        c = jnp.zeros((rb, H), jnp.float32)
        acc = jnp.zeros((rb, H), jnp.float32)
        wi = wi_ref[...]
        wh = wh_ref[...]
        bb = b_ref[...]
        for t in range(S_):
            xt = x_ref[:, t, :] if layout == "ns" else x_ref[t]
            g = (jnp.dot(xt, wi, preferred_element_type=jnp.float32)
                 + jnp.dot(h, wh, preferred_element_type=jnp.float32) + bb)
            i_g = jax.nn.sigmoid(g[:, 0:H])
            f_g = jax.nn.sigmoid(g[:, H:2 * H])
            g_g = jnp.tanh(g[:, 2 * H:3 * H])
            o_g = jax.nn.sigmoid(g[:, 3 * H:4 * H])
            c = f_g * c + i_g * g_g
            h = o_g * jnp.tanh(c)
            oi = 0
            if want_seq:
                y = h
                if f_res:
                    y = y + res_ref[:, t, :]
                outs[oi][:, t, :] = y
                oi += 1
            if want_mean:
                acc = acc + h
        if want_mean:
            outs[-1][...] = acc * (1.0 / S_)

    if layout == "ns":
        xspec = pl.BlockSpec((rb, S_, I), lambda i: (i, 0, 0))
    else:
        xspec = pl.BlockSpec((S_, rb, I), lambda i: (0, i, 0))
    in_specs = [xspec,
                pl.BlockSpec((I, 4 * H), lambda i: (0, 0)),
                pl.BlockSpec((H, 4 * H), lambda i: (0, 0)),
                pl.BlockSpec((1, 4 * H), lambda i: (0, 0))]
    args = [x, WihT, WhhT, bias.reshape(1, -1)]
    if f_res:
        in_specs.append(pl.BlockSpec((rb, S_, H), lambda i: (i, 0, 0)))
        args.append(res)
    out_specs, out_shape = [], []
    if want_seq:
        out_specs.append(pl.BlockSpec((rb, S_, H), lambda i: (i, 0, 0)))
        out_shape.append(jax.ShapeDtypeStruct((B, S_, H), jnp.float32))
    if want_mean:
        out_specs.append(pl.BlockSpec((rb, H), lambda i: (i, 0)))
        out_shape.append(jax.ShapeDtypeStruct((B, H), jnp.float32))
    outs = pl.pallas_call(
        body,
        grid=(B // rb,),
        in_specs=in_specs,
        out_specs=tuple(out_specs),
        out_shape=tuple(out_shape),
    )(*args)
    return outs


def _seg_mean_T(x, lbi, rb):
    nblk = N // rb

    def body(x_ref, l_ref, o_ref, acc, cnt):
        ni = pl.program_id(1)
        oh = (l_ref[...] == lax.broadcasted_iota(jnp.int32, (1, GB), 1))
        oh = oh.astype(jnp.float32)
        pa = lax.dot_general(oh, x_ref[...], (((0,), (0,)), ((), ())),
                             preferred_element_type=jnp.float32)
        pc = jnp.sum(oh, axis=0, keepdims=True)

        @pl.when(ni == 0)
        def _():
            acc[...] = pa
            cnt[...] = pc

        @pl.when(ni > 0)
        def _():
            acc[...] += pa
            cnt[...] += pc

        @pl.when(ni == nblk - 1)
        def _():
            o_ref[...] = acc[...] / jnp.maximum(cnt[...], 1.0).T

    return pl.pallas_call(
        body,
        grid=(S, nblk),
        in_specs=[pl.BlockSpec((rb, 128), lambda t, n_: (t * nblk + n_, 0)),
                  pl.BlockSpec((rb, 1), lambda t, n_: (n_, 0))],
        out_specs=pl.BlockSpec((GB, 128), lambda t, n_: (t, 0)),
        out_shape=jax.ShapeDtypeStruct((S * GB, 128), jnp.float32),
        scratch_shapes=[pltpu.VMEM((GB, 128), jnp.float32),
                        pltpu.VMEM((1, GB), jnp.float32)],
    )(x, lbi)


def _expand64(idx, table, rb):
    N_ = idx.shape[0]
    F = table.shape[1]

    def body(l_ref, t_ref, o_ref):
        oh = (l_ref[...] == lax.broadcasted_iota(jnp.int32, (1, GB), 1))
        o_ref[...] = jnp.dot(oh.astype(jnp.float32), t_ref[...],
                             preferred_element_type=jnp.float32)

    return pl.pallas_call(
        body,
        grid=(N_ // rb,),
        in_specs=[pl.BlockSpec((rb, 1), lambda i: (i, 0)),
                  pl.BlockSpec((GB, F), lambda i: (0, 0))],
        out_specs=pl.BlockSpec((rb, F), lambda i: (i, 0)),
        out_shape=jax.ShapeDtypeStruct((N_, F), jnp.float32),
    )(idx, table)


def _embed_ctx(weeks, minutes, wtab, mtab):
    R = weeks.shape[0]

    def body(w_ref, m_ref, wt_ref, mt_ref, o_ref):
        ohw = (w_ref[...] == lax.broadcasted_iota(jnp.int32, (1, 8), 1))
        ohm = (m_ref[...] == lax.broadcasted_iota(jnp.int32, (1, 288), 1))
        o_ref[...] = (
            jnp.dot(ohw.astype(jnp.float32), wt_ref[...],
                    preferred_element_type=jnp.float32)
            + jnp.dot(ohm.astype(jnp.float32), mt_ref[...],
                      preferred_element_type=jnp.float32))

    return pl.pallas_call(
        body,
        grid=(1,),
        in_specs=[pl.BlockSpec((R, 1), lambda i: (0, 0)),
                  pl.BlockSpec((R, 1), lambda i: (0, 0)),
                  pl.BlockSpec((8, 128), lambda i: (0, 0)),
                  pl.BlockSpec((288, 128), lambda i: (0, 0))],
        out_specs=pl.BlockSpec((R, 128), lambda i: (0, 0)),
        out_shape=jax.ShapeDtypeStruct((R, 128), jnp.float32),
    )(weeks, minutes, wtab, mtab)


def _region(emb_rolled, W, b, gsi):
    def body(e_ref, w_ref, b_ref, g_ref, o_ref):
        gemb = _gelu(jnp.dot(e_ref[...], w_ref[...],
                             preferred_element_type=jnp.float32) + b_ref[...])
        oh = (g_ref[...] == lax.broadcasted_iota(jnp.int32, (1, GB), 1))
        o_ref[...] = jnp.dot(oh.astype(jnp.float32), gemb,
                             preferred_element_type=jnp.float32)

    return pl.pallas_call(
        body,
        grid=(1,),
        in_specs=[pl.BlockSpec((GB, 64), lambda i: (0, 0)),
                  pl.BlockSpec((64, 64), lambda i: (0, 0)),
                  pl.BlockSpec((1, 64), lambda i: (0, 0)),
                  pl.BlockSpec((GB, 1), lambda i: (0, 0))],
        out_specs=pl.BlockSpec((GB, 64), lambda i: (0, 0)),
        out_shape=jax.ShapeDtypeStruct((GB, 64), jnp.float32),
    )(emb_rolled, W, b.reshape(1, -1), gsi)


def _ab_build(lbi, alpha_flat, beta, rb):
    N_ = lbi.shape[0]

    def body(l_ref, a_ref, b_ref, o_ref):
        oh = (l_ref[...] == lax.broadcasted_iota(jnp.int32, (1, GB), 1))
        aexp = jnp.dot(oh.astype(jnp.float32), a_ref[...],
                       preferred_element_type=jnp.float32)
        bt = b_ref[...]
        for t in range(S):
            o_ref[:, t * 256:t * 256 + 128] = aexp[:, t * 128:(t + 1) * 128]
            o_ref[:, t * 256 + 128:(t + 1) * 256] = bt

    return pl.pallas_call(
        body,
        grid=(N_ // rb,),
        in_specs=[pl.BlockSpec((rb, 1), lambda i: (i, 0)),
                  pl.BlockSpec((GB, S * 128), lambda i: (0, 0)),
                  pl.BlockSpec((rb, 128), lambda i: (i, 0))],
        out_specs=pl.BlockSpec((rb, S * 256), lambda i: (i, 0)),
        out_shape=jax.ShapeDtypeStruct((N_, S * 256), jnp.float32),
    )(lbi, alpha_flat, beta)


def _fusion(ab, s1, s2, W1, b1, W2, b2, rb):
    R, C = ab.shape
    n = float(R)

    def body(x_ref, s1_ref, s2_ref, w1_ref, b1_ref, w2_ref, b2_ref, o_ref):
        m = s1_ref[...] / n
        v = s2_ref[...] / n - m * m
        xn = (x_ref[...] - m) * lax.rsqrt(v + EPS)
        h1 = _gelu(jnp.dot(xn, w1_ref[...],
                           preferred_element_type=jnp.float32) + b1_ref[...])
        o_ref[...] = (jnp.dot(h1, w2_ref[...],
                              preferred_element_type=jnp.float32)
                      + b2_ref[...] + xn)

    return pl.pallas_call(
        body,
        grid=(R // rb,),
        in_specs=[pl.BlockSpec((rb, C), lambda i: (i, 0)),
                  pl.BlockSpec((1, C), lambda i: (0, 0)),
                  pl.BlockSpec((1, C), lambda i: (0, 0)),
                  pl.BlockSpec((C, 256), lambda i: (0, 0)),
                  pl.BlockSpec((1, 256), lambda i: (0, 0)),
                  pl.BlockSpec((256, C), lambda i: (0, 0)),
                  pl.BlockSpec((1, C), lambda i: (0, 0))],
        out_specs=pl.BlockSpec((rb, C), lambda i: (i, 0)),
        out_shape=jax.ShapeDtypeStruct((R, C), jnp.float32),
    )(ab, s1, s2, W1, b1.reshape(1, -1), W2, b2.reshape(1, -1))



def kernel(weeks, minutes, global_spatial_idx, edge_index, traffic_h,
           local_batch_idx, local_spatial_idx, local_spatial_feature, params):
    p = params
    src = edge_index[0].astype(jnp.int32)
    dst = edge_index[1].astype(jnp.int32)
    lbi = local_batch_idx.astype(jnp.int32).reshape(N, 1)

    z128 = jnp.zeros((S0, 128), jnp.float32)
    ones128 = jnp.ones((KD, 128), jnp.float32)

    oo, oi = _sc_degrees(src, dst, ones128, z128)
    douts = _deg_scale(oo[0, :, :1], oo[1, :, :1])
    dins = _deg_scale(oi[0, :, :1], oi[1, :, :1])
    douts_tile = jnp.tile(douts, (S, 1))
    dins_tile = jnp.tile(dins, (S, 1))

    x2 = traffic_h.reshape(N, S * 128)
    s1, s2 = _bn_stats_fold(x2, 1000, S)
    h_bn_T, h_pre_T = _bn_apply_T(
        x2, jnp.tile(s1, (1, S)), jnp.tile(s2, (1, S)), 1000, S,
        float(N * S), scale=douts, want_plain=True, want_scaled=True)

    g1 = _sc_agg_multi(h_pre_T, src, dst, z128, T=S)
    y1s = _mm(g1, p['enc_W0'], p['enc_b0'], 1000, rows=S * N,
              x1=g1, x1_boff=(S * N) // 1000,
              pre=dins_tile, post=douts_tile, act=True)
    g2 = _sc_agg_multi(y1s, src, dst, z128, T=S)
    y2 = _mm(g2, p['enc_W1'], p['enc_b1'], 1000, rows=S * N,
             x1=g2, x1_boff=(S * N) // 1000, pre=dins_tile, act=True)
    hs_enc = _seg_mean_T(y2, lbi, 1000).reshape(S, GB, 128).transpose(1, 0, 2)

    (ht_enc,) = _lstm(h_bn_T.reshape(S, N, 128),
                      p['enc_Wih'].T, p['enc_Whh'].T,
                      p['enc_bih'] + p['enc_bhh'], 128, 1000,
                      want_seq=False, want_mean=True, layout="sn")

    wtab = jnp.zeros((8, 128), jnp.float32).at[:7, :6].set(p['week_emb'])
    mtab = jnp.zeros((288, 128), jnp.float32).at[:, 6:70].set(p['minute_emb'])
    xctx = _embed_ctx(weeks.astype(jnp.int32).reshape(GB * S, 1),
                      minutes.astype(jnp.int32).reshape(GB * S, 1),
                      wtab, mtab).reshape(GB, S, 128)
    ctx_WihT = jnp.zeros((128, 256), jnp.float32).at[:70, :].set(p['ctx_Wih'].T)
    lth, gth = _lstm(xctx, ctx_WihT, p['ctx_Whh'].T,
                     p['ctx_bih'] + p['ctx_bhh'], 64, GB,
                     want_seq=True, want_mean=True)

    gsp = _region(jnp.roll(p['region_emb'], 1, axis=0), p['glob_W'],
                  p['glob_b'], global_spatial_idx.astype(jnp.int32).reshape(GB, 1))

    lsi = local_spatial_idx.astype(jnp.int32)
    lsi_pair = jnp.pad(lsi >> 1, (0, GNP - N))
    lrows = _sc_gather(p['link_emb'].reshape(LINKS // 2, 128), lsi_pair, F=128)
    lemb = _pick_half(lrows[:N], (lsi & 1).reshape(N, 1), 1000)
    lsp_in = jnp.concatenate(
        [local_spatial_feature, lemb, jnp.zeros((N, 32), jnp.float32)], axis=1)
    lsp_pre = _rowscale(lsp_in, douts, 1000)
    la = _sc_agg_multi(lsp_pre, src, dst, z128, T=1)
    loc_Wp = jnp.concatenate([p['loc_W'], jnp.zeros((32, 64), jnp.float32)])
    lsp = _mm(la, loc_Wp, p['loc_b'], 1000, rows=N,
              x1=la, x1_boff=N // 1000, pre=dins, act=True)

    gth_sel = _expand64(lbi, gth, 1000)
    htd_in = jnp.concatenate([ht_enc, gth_sel, lsp], axis=1)
    t1, t2 = _bn_stats(htd_in, 1000)
    (htd_T,) = _bn_apply_T(htd_in, t1, t2, 1000, 2, float(N), scale=douts,
                           want_plain=False, want_scaled=True)
    gd = _sc_agg_multi(htd_T, src, dst, z128, T=2)
    ht1s = _mm_k256(gd, p['dec_W0'], p['dec_b0'], 1000, dins, douts)
    ge = _sc_agg_multi(ht1s, src, dst, z128, T=1)
    beta = _mm(ge, p['dec_W1'], p['dec_b1'], 1000, rows=N,
               x1=ge, x1_boff=N // 1000, pre=dins, res=ht_enc, act=True)

    c_ht = jnp.concatenate(
        [lth, jnp.broadcast_to(gsp[:, None, :], (GB, S, 64))], axis=2)
    hsd_in = jnp.concatenate([hs_enc, c_ht], axis=2).reshape(GB * S, 256)
    u1, u2 = _bn_stats(hsd_in, GB * S)
    hs_d = _bn_apply(hsd_in, u1, u2).reshape(GB, S, 256)
    (alpha,) = _lstm(hs_d, p['dec_Wih'].T, p['dec_Whh'].T,
                     p['dec_bih'] + p['dec_bhh'], 128, GB,
                     want_seq=True, want_mean=False, res=hs_enc)

    ab = _ab_build(lbi, alpha.reshape(GB, S * 128), beta, 1000)
    ab_flat = ab.reshape(N * S, 256)
    f1, f2 = _bn_stats(ab_flat, 1000)
    out = _fusion(ab_flat, f1, f2, p['fus_W1'], p['fus_b1'],
                  p['fus_W2'], p['fus_b2'], 1000)
    return out.reshape(N, S, 256)


def _bn_apply(x, s1, s2):
    R, C = x.shape
    n = float(R)

    def body(x_ref, s1_ref, s2_ref, o_ref):
        m = s1_ref[...] / n
        v = s2_ref[...] / n - m * m
        o_ref[...] = (x_ref[...] - m) * lax.rsqrt(v + EPS)

    return pl.pallas_call(
        body,
        grid=(1,),
        in_specs=[pl.BlockSpec((R, C), lambda i: (0, 0)),
                  pl.BlockSpec((1, C), lambda i: (0, 0)),
                  pl.BlockSpec((1, C), lambda i: (0, 0))],
        out_specs=pl.BlockSpec((R, C), lambda i: (0, 0)),
        out_shape=jax.ShapeDtypeStruct((R, C), jnp.float32),
    )(x, s1, s2)

# --- scband reference (transcript-rebuilt; emitter-appended) ---
"""Pipeline reference for scband-encoder-decoder-75668733821148 (READ-ONLY COPY).

The authoritative reference and input builder live on the scoring server;
editing this copy changes nothing except your own understanding.
"""

import jax, jax.numpy as jnp
import numpy as np

N_NODES = 10000
N_EDGES = 320000
G_BATCH = 64
SEQ = 12
IN_DIM = 128
DS = 128
DT = 128
SCD = 64
TCD = 64
SFD = 32
HID = 256
REGIONS = 64
LINKS = 100000


def _gelu(x):
    return jax.nn.gelu(x, approximate=False)


def _p(key, i, shape, scale=0.05):
    return jax.random.normal(jax.random.fold_in(key, i), shape, dtype=jnp.float32) * scale


def _lstm(x, Wih, Whh, bih, bhh):
    H = Whh.shape[1]
    B = x.shape[0]
    def step(carry, xt):
        h, c = carry
        gates = xt @ Wih.T + bih + h @ Whh.T + bhh
        i, f, g, o = jnp.split(gates, 4, axis=-1)
        i = jax.nn.sigmoid(i)
        f = jax.nn.sigmoid(f)
        g = jnp.tanh(g)
        o = jax.nn.sigmoid(o)
        c = f * c + i * g
        h = o * jnp.tanh(c)
        return (h, c), h
    init = (jnp.zeros((B, H), x.dtype), jnp.zeros((B, H), x.dtype))
    _, ys = jax.lax.scan(step, init, jnp.swapaxes(x, 0, 1))
    return jnp.swapaxes(ys, 0, 1)


def _bn(x, eps=1e-5):
    m = x.mean(axis=0)
    v = x.var(axis=0)
    return (x - m) / jnp.sqrt(v + eps)


def _gconv(src, dst, n, h, W, b):
    ones = jnp.ones((src.shape[0],), h.dtype)
    dout = jnp.maximum(jax.ops.segment_sum(ones, src, num_segments=n), 1.0)
    din = jnp.maximum(jax.ops.segment_sum(ones, dst, num_segments=n), 1.0)
    h = h * (dout ** -0.5)[:, None]
    agg = jax.ops.segment_sum(h[src], dst, num_segments=n)
    agg = agg * (din ** -0.5)[:, None]
    return agg @ W + b


def make_params(key):
    p = {}
    p['week_emb'] = _p(key, 0, (7, TCD // 10))
    p['minute_emb'] = _p(key, 1, (288, TCD))
    p['ctx_Wih'] = _p(key, 2, (4 * TCD, TCD // 10 + TCD))
    p['ctx_Whh'] = _p(key, 3, (4 * TCD, TCD))
    p['ctx_bih'] = jnp.zeros((4 * TCD,), jnp.float32)
    p['ctx_bhh'] = jnp.zeros((4 * TCD,), jnp.float32)
    p['region_emb'] = _p(key, 4, (REGIONS, SCD))
    p['glob_W'] = _p(key, 5, (SCD, SCD))
    p['glob_b'] = jnp.zeros((SCD,), jnp.float32)
    p['link_emb'] = _p(key, 6, (LINKS, SCD))
    p['loc_W'] = _p(key, 7, (SCD + SFD, SCD))
    p['loc_b'] = jnp.zeros((SCD,), jnp.float32)
    p['enc_W0'] = _p(key, 8, (IN_DIM, DS))
    p['enc_b0'] = jnp.zeros((DS,), jnp.float32)
    p['enc_W1'] = _p(key, 9, (DS, DS))
    p['enc_b1'] = jnp.zeros((DS,), jnp.float32)
    p['enc_Wih'] = _p(key, 10, (4 * DT, IN_DIM))
    p['enc_Whh'] = _p(key, 11, (4 * DT, DT))
    p['enc_bih'] = jnp.zeros((4 * DT,), jnp.float32)
    p['enc_bhh'] = jnp.zeros((4 * DT,), jnp.float32)
    dec_gdim = DT + SCD + TCD
    dec_rdim = DS + TCD + SCD
    p['dec_W0'] = _p(key, 12, (dec_gdim, DS))
    p['dec_b0'] = jnp.zeros((DS,), jnp.float32)
    p['dec_W1'] = _p(key, 13, (DS, DS))
    p['dec_b1'] = jnp.zeros((DS,), jnp.float32)
    p['dec_Wih'] = _p(key, 14, (4 * DT, dec_rdim))
    p['dec_Whh'] = _p(key, 15, (4 * DT, DT))
    p['dec_bih'] = jnp.zeros((4 * DT,), jnp.float32)
    p['dec_bhh'] = jnp.zeros((4 * DT,), jnp.float32)
    p['fus_W1'] = _p(key, 16, (DS + DT, HID))
    p['fus_b1'] = jnp.zeros((HID,), jnp.float32)
    p['fus_W2'] = _p(key, 17, (HID, DS + DT))
    p['fus_b2'] = jnp.zeros((DS + DT,), jnp.float32)
    return p


def setup_inputs(seed: int = 0):
    key = jax.random.key(seed)
    inp = {}
    inp['weeks'] = jax.random.randint(jax.random.fold_in(key, 100), (G_BATCH, SEQ), 0, 7)
    inp['minutes'] = jax.random.randint(jax.random.fold_in(key, 101), (G_BATCH, SEQ), 0, 288)
    inp['global_spatial_idx'] = jax.random.randint(jax.random.fold_in(key, 102), (G_BATCH,), 0, REGIONS)
    inp['edge_index'] = jax.random.randint(jax.random.fold_in(key, 103), (2, N_EDGES), 0, N_NODES)
    inp['traffic_h'] = jax.random.normal(jax.random.fold_in(key, 104), (N_NODES, SEQ, IN_DIM), dtype=jnp.float32)
    inp['local_batch_idx'] = jnp.sort(jax.random.randint(jax.random.fold_in(key, 105), (N_NODES,), 0, G_BATCH))
    inp['local_spatial_idx'] = jax.random.randint(jax.random.fold_in(key, 106), (N_NODES,), 0, LINKS)
    inp['local_spatial_feature'] = jax.random.normal(jax.random.fold_in(key, 107), (N_NODES, SFD), dtype=jnp.float32)
    inp['params'] = make_params(key)
    return inp


def _forward(weeks, minutes, global_spatial_idx, edge_index, traffic_h, local_batch_idx, local_spatial_idx, local_spatial_feature, p):
    src = edge_index[0]
    dst = edge_index[1]
    N, S, D = traffic_h.shape
    # ---- Encoder ----
    h = _bn(traffic_h.reshape(N * S, D)).reshape(N, S, D)
    ones_n = jnp.ones((N,), jnp.float32)
    counts = jnp.maximum(jax.ops.segment_sum(ones_n, local_batch_idx, num_segments=G_BATCH), 1.0)
    hs_list = []
    for i in range(S):
        hs_t = h[:, i]
        hs_t = _gelu(_gconv(src, dst, N, hs_t, p['enc_W0'], p['enc_b0']))
        hs_t = _gelu(_gconv(src, dst, N, hs_t, p['enc_W1'], p['enc_b1']))
        hg = jax.ops.segment_sum(hs_t, local_batch_idx, num_segments=G_BATCH) / counts[:, None]
        hs_list.append(hg)
    hs_enc = jnp.stack(hs_list, axis=1)
    ht_enc = _lstm(h, p['enc_Wih'], p['enc_Whh'], p['enc_bih'], p['enc_bhh']).mean(axis=1)
    # ---- temporal/spatial context ----
    week_e = p['week_emb'][weeks]
    minute_e = p['minute_emb'][minutes]
    local_temporal_h = _lstm(jnp.concatenate([week_e, minute_e], axis=-1), p['ctx_Wih'], p['ctx_Whh'], p['ctx_bih'], p['ctx_bhh'])
    global_temporal_h = local_temporal_h.mean(axis=1)
    gth_sel = global_temporal_h[local_batch_idx]
    gsrc = jnp.arange(REGIONS)
    gdst = (gsrc + 1) % REGIONS
    gemb = _gelu(_gconv(gsrc, gdst, REGIONS, p['region_emb'], p['glob_W'], p['glob_b']))
    gsp = gemb[global_spatial_idx]
    c_ht = jnp.concatenate([local_temporal_h, jnp.repeat(gsp[:, None, :], S, axis=1)], axis=-1)
    lemb = p['link_emb'][local_spatial_idx]
    lsp = jnp.concatenate([local_spatial_feature, lemb], axis=-1)
    lsp = _gelu(_gconv(src, dst, N, lsp, p['loc_W'], p['loc_b']))
    c_hs = jnp.concatenate([gth_sel, lsp], axis=-1)
    # ---- Decoder ----
    rnn_dim = DS + TCD + SCD
    hs_d = _bn(jnp.concatenate([hs_enc, c_ht], axis=-1).reshape(G_BATCH * S, rnn_dim)).reshape(-1, S, rnn_dim)
    ht_d = _bn(jnp.concatenate([ht_enc, c_hs], axis=-1))
    ht_d = _gelu(_gconv(src, dst, N, ht_d, p['dec_W0'], p['dec_b0']))
    ht_d = _gelu(_gconv(src, dst, N, ht_d, p['dec_W1'], p['dec_b1']))
    hs_d = _lstm(hs_d, p['dec_Wih'], p['dec_Whh'], p['dec_bih'], p['dec_bhh'])
    alpha = hs_d + hs_enc
    beta = ht_d + ht_enc
    alpha_new = alpha[local_batch_idx]
    beta_new = jnp.repeat(beta[:, None, :], S, axis=1)
    ab = jnp.concatenate([alpha_new, beta_new], axis=-1)
    ab = _bn(ab.reshape(N * S, DS + DT)).reshape(N, S, DS + DT)
    fus = _gelu(ab @ p['fus_W1'] + p['fus_b1']) @ p['fus_W2'] + p['fus_b2']
    return fus + ab


def reference(weeks, minutes, global_spatial_idx, edge_index, traffic_h, local_batch_idx, local_spatial_idx, local_spatial_feature, params):
    return _forward(weeks, minutes, global_spatial_idx, edge_index, traffic_h, local_batch_idx, local_spatial_idx, local_spatial_feature, params)

if __name__ == "__main__":
    import jax
    _d = setup_inputs()
    print(jax.jit(kernel)(*tuple(_d.values())))

</pallas_src>

<mosaic_0001>
#map = affine_map<(d0, d1) -> (0)>
#map1 = affine_map<(d0, d1) -> (0, 0)>
module attributes {stable_mosaic.version = 14 : i64} {
  func.func @k(%arg0: i32, %arg1: i32, %arg2: memref<320000xi32, #tpu.memory_space<hbm>>, %arg3: memref<320000xi32, #tpu.memory_space<hbm>>, %arg4: memref<200x128xf32, #tpu.memory_space<hbm>>, %arg5: memref<640x128xf32, #tpu.memory_space<hbm>>, %arg6: memref<20000x128xf32, #tpu.memory_space<hbm>>, %arg7: memref<20000x128xf32, #tpu.memory_space<hbm>>, %arg8: memref<200xi32, #tpu.memory_space<vmem>>, %arg9: memref<200x128xf32, #tpu.memory_space<vmem>>, %arg10: memref<10000x128xf32, #tpu.memory_space<vmem_shared>>) attributes {dimension_semantics = [#tpu.dimension_semantics<core_parallel>, #tpu.dimension_semantics<subcore_parallel>], iteration_bounds = array<i64: 2, 16>, scalar_prefetch = 0 : i64, scratch_operands = 3 : i64, tpu.core_type = #tpu.core_type<sc_vector_subcore>, window_params = [{transform_indices = #map}, {transform_indices = #map}, {transform_indices = #map1}, {transform_indices = #map1}, {transform_indices = #map1}, {transform_indices = #map1}]} {
    %mul3A = arith.constant 16 : i32
    %mul3A_0 = arith.muli %arg0, %mul3A : i32
    %add3A = arith.addi %mul3A_0, %arg1 : i32
    %mul3A_1 = arith.constant 10000 : i32
    %mul3A_2 = arith.muli %add3A, %mul3A_1 : i32
    "tpu.region"() ({
      %run_scoped3A = tpu.sem_alloc : memref<!tpu.dma_semaphore, #tpu.memory_space<semaphore_mem>>
      tpu.enqueue_dma source(%arg4 : memref<200x128xf32, #tpu.memory_space<hbm>>) target(%arg9 : memref<200x128xf32, #tpu.memory_space<vmem>>) target_semaphore(%run_scoped3A : memref<!tpu.dma_semaphore, #tpu.memory_space<semaphore_mem>>)
      tpu.wait_dma2 semaphore(%run_scoped3A : memref<!tpu.dma_semaphore, #tpu.memory_space<semaphore_mem>>) src(%arg4 : memref<200x128xf32, #tpu.memory_space<hbm>>) dst(%arg9 : memref<200x128xf32, #tpu.memory_space<vmem>>)
      tpu.yield
    }) : () -> ()
    %lt3A = arith.constant 15 : i32
    %lt3A_3 = arith.cmpi slt, %arg1, %lt3A : i32
    %convert_element_type3A = arith.extui %lt3A_3 : i1 to i32
    %cond3A = arith.constant 0 : i32
    %cond3A_4 = arith.cmpi ne, %convert_element_type3A, %cond3A : i32
    scf.if %cond3A_4 {
      %mul3A_53 = arith.constant 640 : i32
      %mul3A_54 = arith.muli %arg1, %mul3A_53 : i32
      "tpu.region"() ({
        %run_scoped3A = tpu.sem_alloc : memref<!tpu.dma_semaphore, #tpu.memory_space<semaphore_mem>>
        %dma_start3A = arith.constant 0 : i32
        %dma_start3A_55 = tpu.memref_slice %arg10[%mul3A_54, %dma_start3A] : memref<10000x128xf32, #tpu.memory_space<vmem_shared>> -> memref<640x128xf32, #tpu.memory_space<vmem_shared>>
        tpu.enqueue_dma source(%arg5 : memref<640x128xf32, #tpu.memory_space<hbm>>) target(%dma_start3A_55 : memref<640x128xf32, #tpu.memory_space<vmem_shared>>) target_semaphore(%run_scoped3A : memref<!tpu.dma_semaphore, #tpu.memory_space<semaphore_mem>>)
        %dma_wait3A = arith.constant 0 : i32
        %dma_wait3A_56 = tpu.memref_slice %arg10[%mul3A_54, %dma_wait3A] : memref<10000x128xf32, #tpu.memory_space<vmem_shared>> -> memref<640x128xf32, #tpu.memory_space<vmem_shared>>
        tpu.wait_dma2 semaphore(%run_scoped3A : memref<!tpu.dma_semaphore, #tpu.memory_space<semaphore_mem>>) src(%arg5 : memref<640x128xf32, #tpu.memory_space<hbm>>) dst(%dma_wait3A_56 : memref<640x128xf32, #tpu.memory_space<vmem_shared>>)
        tpu.yield
      }) : () -> ()
    } else {
    }
    %eq3A = arith.constant 15 : i32
    %eq3A_5 = arith.cmpi eq, %arg1, %eq3A : i32
    %convert_element_type3A_6 = arith.extui %eq3A_5 : i1 to i32
    %cond3A_7 = arith.constant 0 : i32
    %cond3A_8 = arith.cmpi ne, %convert_element_type3A_6, %cond3A_7 : i32
    scf.if %cond3A_8 {
      "tpu.region"() ({
        %run_scoped3A = tpu.sem_alloc : memref<!tpu.dma_semaphore, #tpu.memory_space<semaphore_mem>>
        %dma_start3A = arith.constant 9600 : i32
        %dma_start3A_53 = arith.constant 0 : i32
        %dma_start3A_54 = tpu.memref_slice %arg10[%dma_start3A, %dma_start3A_53] : memref<10000x128xf32, #tpu.memory_space<vmem_shared>> -> memref<400x128xf32, #tpu.memory_space<vmem_shared>>
        %dma_start3A_55 = arith.constant 0 : i32
        %dma_start3A_56 = arith.constant 0 : i32
        %dma_start3A_57 = tpu.memref_slice %arg5[%dma_start3A_55, %dma_start3A_56] : memref<640x128xf32, #tpu.memory_space<hbm>> -> memref<400x128xf32, #tpu.memory_space<hbm>>
        tpu.enqueue_dma source(%dma_start3A_57 : memref<400x128xf32, #tpu.memory_space<hbm>>) target(%dma_start3A_54 : memref<400x128xf32, #tpu.memory_space<vmem_shared>>) target_semaphore(%run_scoped3A : memref<!tpu.dma_semaphore, #tpu.memory_space<semaphore_mem>>)
        %dma_wait3A = arith.constant 9600 : i32
        %dma_wait3A_58 = arith.constant 0 : i32
        %dma_wait3A_59 = tpu.memref_slice %arg10[%dma_wait3A, %dma_wait3A_58] : memref<10000x128xf32, #tpu.memory_space<vmem_shared>> -> memref<400x128xf32, #tpu.memory_space<vmem_shared>>
        %dma_wait3A_60 = arith.constant 0 : i32
        %dma_wait3A_61 = arith.constant 0 : i32
        %dma_wait3A_62 = tpu.memref_slice %arg5[%dma_wait3A_60, %dma_wait3A_61] : memref<640x128xf32, #tpu.memory_space<hbm>> -> memref<400x128xf32, #tpu.memory_space<hbm>>
        tpu.wait_dma2 semaphore(%run_scoped3A : memref<!tpu.dma_semaphore, #tpu.memory_space<semaphore_mem>>) src(%dma_wait3A_62 : memref<400x128xf32, #tpu.memory_space<hbm>>) dst(%dma_wait3A_59 : memref<400x128xf32, #tpu.memory_space<vmem_shared>>)
        tpu.yield
      }) : () -> ()
    } else {
    }
    %barrier3A = arith.constant 0 : index
    tpu.barrier barrier_id(%barrier3A)
    %scan3A = arith.constant 0 : i32
    %scan3A_9 = arith.constant 0 : i32
    %scan3A_10 = arith.constant 50 : i32
    %scan3A_11 = arith.addi %scan3A_9, %scan3A_10 : i32
    %scan3A_12 = arith.constant 1 : i32
    scf.for %scan3A_53 = %scan3A_9 to %scan3A_11 step %scan3A_12  : i32 {
      %mul3A_54 = arith.constant 200 : i32
      %mul3A_55 = arith.muli %scan3A_53, %mul3A_54 : i32
      %add3A_56 = arith.addi %mul3A_2, %mul3A_55 : i32
      "tpu.region"() ({
        %run_scoped3A = tpu.sem_alloc : memref<!tpu.dma_semaphore, #tpu.memory_space<semaphore_mem>>
        %dma_start3A = tpu.memref_slice %arg2[%add3A_56] : memref<320000xi32, #tpu.memory_space<hbm>> -> memref<200xi32, #tpu.memory_space<hbm>>
        %dma_start3A_57 = tpu.memref_slice %arg2[%add3A_56] : memref<320000xi32, #tpu.memory_space<hbm>> -> memref<200xi32, #tpu.memory_space<hbm>>
        tpu.enqueue_dma source(%dma_start3A_57 : memref<200xi32, #tpu.memory_space<hbm>>) target(%arg8 : memref<200xi32, #tpu.memory_space<vmem>>) target_semaphore(%run_scoped3A : memref<!tpu.dma_semaphore, #tpu.memory_space<semaphore_mem>>)
        %dma_wait3A = tpu.memref_slice %arg2[%add3A_56] : memref<320000xi32, #tpu.memory_space<hbm>> -> memref<200xi32, #tpu.memory_space<hbm>>
        %dma_wait3A_58 = tpu.memref_slice %arg2[%add3A_56] : memref<320000xi32, #tpu.memory_space<hbm>> -> memref<200xi32, #tpu.memory_space<hbm>>
        tpu.wait_dma2 semaphore(%run_scoped3A : memref<!tpu.dma_semaphore, #tpu.memory_space<semaphore_mem>>) src(%dma_wait3A_58 : memref<200xi32, #tpu.memory_space<hbm>>) dst(%arg8 : memref<200xi32, #tpu.memory_space<vmem>>)
        tpu.yield
      }) : () -> ()
      "tpu.region"() ({
        %run_scoped3A = tpu.sem_alloc : memref<!tpu.dma_semaphore, #tpu.memory_space<semaphore_mem>>
        %dma_start3A = arith.constant 0 : i32
        %dma_start3A_57 = arith.constant 0 : i32
        %dma_start3A_58 = tpu.memref_slice %arg10[%dma_start3A, %dma_start3A_57] : memref<10000x128xf32, #tpu.memory_space<vmem_shared>> -> memref<10000x128xf32, #tpu.memory_space<vmem_shared>>
        tpu.enqueue_indirect_dma source(%arg9 : memref<200x128xf32, #tpu.memory_space<vmem>>) target(%dma_start3A_58 : memref<10000x128xf32, #tpu.memory_space<vmem_shared>>) offsets(%arg8 : memref<200xi32, #tpu.memory_space<vmem>>) semaphore(%run_scoped3A : memref<!tpu.dma_semaphore, #tpu.memory_space<semaphore_mem>>) {add = true}
        %dma_wait3A = arith.constant 0 : i32
        %dma_wait3A_59 = arith.constant 0 : i32
        %dma_wait3A_60 = tpu.memref_slice %arg10[%dma_wait3A, %dma_wait3A_59] : memref<10000x128xf32, #tpu.memory_space<vmem_shared>> -> memref<10000x128xf32, #tpu.memory_space<vmem_shared>>
        tpu.wait_indirect_dma semaphore(%run_scoped3A : memref<!tpu.dma_semaphore, #tpu.memory_space<semaphore_mem>>) src(%arg9 : memref<200x128xf32, #tpu.memory_space<vmem>>) dst(%dma_wait3A_60 : memref<10000x128xf32, #tpu.memory_space<vmem_shared>>)
        tpu.yield
      }) : () -> ()
    }
    %scan3A_13 = arith.constant 50 : i32
    %barrier3A_14 = arith.constant 0 : index
    tpu.barrier barrier_id(%barrier3A_14)
    %lt3A_15 = arith.constant 15 : i32
    %lt3A_16 = arith.cmpi slt, %arg1, %lt3A_15 : i32
    %convert_element_type3A_17 = arith.extui %lt3A_16 : i1 to i32
    %cond3A_18 = arith.constant 0 : i32
    %cond3A_19 = arith.cmpi ne, %convert_element_type3A_17, %cond3A_18 : i32
    scf.if %cond3A_19 {
      %mul3A_53 = arith.constant 640 : i32
      %mul3A_54 = arith.muli %arg1, %mul3A_53 : i32
      %mul3A_55 = arith.constant 10000 : i32
      %mul3A_56 = arith.muli %arg0, %mul3A_55 : i32
      %mul3A_57 = arith.constant 640 : i32
      %mul3A_58 = arith.muli %arg1, %mul3A_57 : i32
      %add3A_59 = arith.addi %mul3A_56, %mul3A_58 : i32
      "tpu.region"() ({
        %run_scoped3A = tpu.sem_alloc : memref<!tpu.dma_semaphore, #tpu.memory_space<semaphore_mem>>
        %dma_start3A = arith.constant 0 : i32
        %dma_start3A_60 = tpu.memref_slice %arg6[%add3A_59, %dma_start3A] : memref<20000x128xf32, #tpu.memory_space<hbm>> -> memref<640x128xf32, #tpu.memory_space<hbm>>
        %dma_start3A_61 = arith.constant 0 : i32
        %dma_start3A_62 = tpu.memref_slice %arg10[%mul3A_54, %dma_start3A_61] : memref<10000x128xf32, #tpu.memory_space<vmem_shared>> -> memref<640x128xf32, #tpu.memory_space<vmem_shared>>
        tpu.enqueue_dma source(%dma_start3A_62 : memref<640x128xf32, #tpu.memory_space<vmem_shared>>) target(%dma_start3A_60 : memref<640x128xf32, #tpu.memory_space<hbm>>) target_semaphore(%run_scoped3A : memref<!tpu.dma_semaphore, #tpu.memory_space<semaphore_mem>>)
        %dma_wait3A = arith.constant 0 : i32
        %dma_wait3A_63 = tpu.memref_slice %arg6[%add3A_59, %dma_wait3A] : memref<20000x128xf32, #tpu.memory_space<hbm>> -> memref<640x128xf32, #tpu.memory_space<hbm>>
        %dma_wait3A_64 = arith.constant 0 : i32
        %dma_wait3A_65 = tpu.memref_slice %arg10[%mul3A_54, %dma_wait3A_64] : memref<10000x128xf32, #tpu.memory_space<vmem_shared>> -> memref<640x128xf32, #tpu.memory_space<vmem_shared>>
        tpu.wait_dma2 semaphore(%run_scoped3A : memref<!tpu.dma_semaphore, #tpu.memory_space<semaphore_mem>>) src(%dma_wait3A_65 : memref<640x128xf32, #tpu.memory_space<vmem_shared>>) dst(%dma_wait3A_63 : memref<640x128xf32, #tpu.memory_space<hbm>>)
        tpu.yield
      }) : () -> ()
    } else {
    }
    %eq3A_20 = arith.constant 15 : i32
    %eq3A_21 = arith.cmpi eq, %arg1, %eq3A_20 : i32
    %convert_element_type3A_22 = arith.extui %eq3A_21 : i1 to i32
    %cond3A_23 = arith.constant 0 : i32
    %cond3A_24 = arith.cmpi ne, %convert_element_type3A_22, %cond3A_23 : i32
    scf.if %cond3A_24 {
      %mul3A_53 = arith.constant 10000 : i32
      %mul3A_54 = arith.muli %arg0, %mul3A_53 : i32
      %add3A_55 = arith.constant 9600 : i32
      %add3A_56 = arith.addi %mul3A_54, %add3A_55 : i32
      "tpu.region"() ({
        %run_scoped3A = tpu.sem_alloc : memref<!tpu.dma_semaphore, #tpu.memory_space<semaphore_mem>>
        %dma_start3A = arith.constant 0 : i32
        %dma_start3A_57 = tpu.memref_slice %arg6[%add3A_56, %dma_start3A] : memref<20000x128xf32, #tpu.memory_space<hbm>> -> memref<400x128xf32, #tpu.memory_space<hbm>>
        %dma_start3A_58 = arith.constant 9600 : i32
        %dma_start3A_59 = arith.constant 0 : i32
        %dma_start3A_60 = tpu.memref_slice %arg10[%dma_start3A_58, %dma_start3A_59] : memref<10000x128xf32, #tpu.memory_space<vmem_shared>> -> memref<400x128xf32, #tpu.memory_space<vmem_shared>>
        tpu.enqueue_dma source(%dma_start3A_60 : memref<400x128xf32, #tpu.memory_space<vmem_shared>>) target(%dma_start3A_57 : memref<400x128xf32, #tpu.memory_space<hbm>>) target_semaphore(%run_scoped3A : memref<!tpu.dma_semaphore, #tpu.memory_space<semaphore_mem>>)
        %dma_wait3A = arith.constant 0 : i32
        %dma_wait3A_61 = tpu.memref_slice %arg6[%add3A_56, %dma_wait3A] : memref<20000x128xf32, #tpu.memory_space<hbm>> -> memref<400x128xf32, #tpu.memory_space<hbm>>
        %dma_wait3A_62 = arith.constant 9600 : i32
        %dma_wait3A_63 = arith.constant 0 : i32
        %dma_wait3A_64 = tpu.memref_slice %arg10[%dma_wait3A_62, %dma_wait3A_63] : memref<10000x128xf32, #tpu.memory_space<vmem_shared>> -> memref<400x128xf32, #tpu.memory_space<vmem_shared>>
        tpu.wait_dma2 semaphore(%run_scoped3A : memref<!tpu.dma_semaphore, #tpu.memory_space<semaphore_mem>>) src(%dma_wait3A_64 : memref<400x128xf32, #tpu.memory_space<vmem_shared>>) dst(%dma_wait3A_61 : memref<400x128xf32, #tpu.memory_space<hbm>>)
        tpu.yield
      }) : () -> ()
    } else {
    }
    %lt3A_25 = arith.constant 15 : i32
    %lt3A_26 = arith.cmpi slt, %arg1, %lt3A_25 : i32
    %convert_element_type3A_27 = arith.extui %lt3A_26 : i1 to i32
    %cond3A_28 = arith.constant 0 : i32
    %cond3A_29 = arith.cmpi ne, %convert_element_type3A_27, %cond3A_28 : i32
    scf.if %cond3A_29 {
      %mul3A_53 = arith.constant 640 : i32
      %mul3A_54 = arith.muli %arg1, %mul3A_53 : i32
      "tpu.region"() ({
        %run_scoped3A = tpu.sem_alloc : memref<!tpu.dma_semaphore, #tpu.memory_space<semaphore_mem>>
        %dma_start3A = arith.constant 0 : i32
        %dma_start3A_55 = tpu.memref_slice %arg10[%mul3A_54, %dma_start3A] : memref<10000x128xf32, #tpu.memory_space<vmem_shared>> -> memref<640x128xf32, #tpu.memory_space<vmem_shared>>
        tpu.enqueue_dma source(%arg5 : memref<640x128xf32, #tpu.memory_space<hbm>>) target(%dma_start3A_55 : memref<640x128xf32, #tpu.memory_space<vmem_shared>>) target_semaphore(%run_scoped3A : memref<!tpu.dma_semaphore, #tpu.memory_space<semaphore_mem>>)
        %dma_wait3A = arith.constant 0 : i32
        %dma_wait3A_56 = tpu.memref_slice %arg10[%mul3A_54, %dma_wait3A] : memref<10000x128xf32, #tpu.memory_space<vmem_shared>> -> memref<640x128xf32, #tpu.memory_space<vmem_shared>>
        tpu.wait_dma2 semaphore(%run_scoped3A : memref<!tpu.dma_semaphore, #tpu.memory_space<semaphore_mem>>) src(%arg5 : memref<640x128xf32, #tpu.memory_space<hbm>>) dst(%dma_wait3A_56 : memref<640x128xf32, #tpu.memory_space<vmem_shared>>)
        tpu.yield
      }) : () -> ()
    } else {
    }
    %eq3A_30 = arith.constant 15 : i32
    %eq3A_31 = arith.cmpi eq, %arg1, %eq3A_30 : i32
    %convert_element_type3A_32 = arith.extui %eq3A_31 : i1 to i32
    %cond3A_33 = arith.constant 0 : i32
    %cond3A_34 = arith.cmpi ne, %convert_element_type3A_32, %cond3A_33 : i32
    scf.if %cond3A_34 {
      "tpu.region"() ({
        %run_scoped3A = tpu.sem_alloc : memref<!tpu.dma_semaphore, #tpu.memory_space<semaphore_mem>>
        %dma_start3A = arith.constant 9600 : i32
        %dma_start3A_53 = arith.constant 0 : i32
        %dma_start3A_54 = tpu.memref_slice %arg10[%dma_start3A, %dma_start3A_53] : memref<10000x128xf32, #tpu.memory_space<vmem_shared>> -> memref<400x128xf32, #tpu.memory_space<vmem_shared>>
        %dma_start3A_55 = arith.constant 0 : i32
        %dma_start3A_56 = arith.constant 0 : i32
        %dma_start3A_57 = tpu.memref_slice %arg5[%dma_start3A_55, %dma_start3A_56] : memref<640x128xf32, #tpu.memory_space<hbm>> -> memref<400x128xf32, #tpu.memory_space<hbm>>
        tpu.enqueue_dma source(%dma_start3A_57 : memref<400x128xf32, #tpu.memory_space<hbm>>) target(%dma_start3A_54 : memref<400x128xf32, #tpu.memory_space<vmem_shared>>) target_semaphore(%run_scoped3A : memref<!tpu.dma_semaphore, #tpu.memory_space<semaphore_mem>>)
        %dma_wait3A = arith.constant 9600 : i32
        %dma_wait3A_58 = arith.constant 0 : i32
        %dma_wait3A_59 = tpu.memref_slice %arg10[%dma_wait3A, %dma_wait3A_58] : memref<10000x128xf32, #tpu.memory_space<vmem_shared>> -> memref<400x128xf32, #tpu.memory_space<vmem_shared>>
        %dma_wait3A_60 = arith.constant 0 : i32
        %dma_wait3A_61 = arith.constant 0 : i32
        %dma_wait3A_62 = tpu.memref_slice %arg5[%dma_wait3A_60, %dma_wait3A_61] : memref<640x128xf32, #tpu.memory_space<hbm>> -> memref<400x128xf32, #tpu.memory_space<hbm>>
        tpu.wait_dma2 semaphore(%run_scoped3A : memref<!tpu.dma_semaphore, #tpu.memory_space<semaphore_mem>>) src(%dma_wait3A_62 : memref<400x128xf32, #tpu.memory_space<hbm>>) dst(%dma_wait3A_59 : memref<400x128xf32, #tpu.memory_space<vmem_shared>>)
        tpu.yield
      }) : () -> ()
    } else {
    }
    %barrier3A_35 = arith.constant 0 : index
    tpu.barrier barrier_id(%barrier3A_35)
    %scan3A_36 = arith.constant 0 : i32
    %scan3A_37 = arith.constant 0 : i32
    %scan3A_38 = arith.constant 50 : i32
    %scan3A_39 = arith.addi %scan3A_37, %scan3A_38 : i32
    %scan3A_40 = arith.constant 1 : i32
    scf.for %scan3A_53 = %scan3A_37 to %scan3A_39 step %scan3A_40  : i32 {
      %mul3A_54 = arith.constant 200 : i32
      %mul3A_55 = arith.muli %scan3A_53, %mul3A_54 : i32
      %add3A_56 = arith.addi %mul3A_2, %mul3A_55 : i32
      "tpu.region"() ({
        %run_scoped3A = tpu.sem_alloc : memref<!tpu.dma_semaphore, #tpu.memory_space<semaphore_mem>>
        %dma_start3A = tpu.memref_slice %arg3[%add3A_56] : memref<320000xi32, #tpu.memory_space<hbm>> -> memref<200xi32, #tpu.memory_space<hbm>>
        %dma_start3A_57 = tpu.memref_slice %arg3[%add3A_56] : memref<320000xi32, #tpu.memory_space<hbm>> -> memref<200xi32, #tpu.memory_space<hbm>>
        tpu.enqueue_dma source(%dma_start3A_57 : memref<200xi32, #tpu.memory_space<hbm>>) target(%arg8 : memref<200xi32, #tpu.memory_space<vmem>>) target_semaphore(%run_scoped3A : memref<!tpu.dma_semaphore, #tpu.memory_space<semaphore_mem>>)
        %dma_wait3A = tpu.memref_slice %arg3[%add3A_56] : memref<320000xi32, #tpu.memory_space<hbm>> -> memref<200xi32, #tpu.memory_space<hbm>>
        %dma_wait3A_58 = tpu.memref_slice %arg3[%add3A_56] : memref<320000xi32, #tpu.memory_space<hbm>> -> memref<200xi32, #tpu.memory_space<hbm>>
        tpu.wait_dma2 semaphore(%run_scoped3A : memref<!tpu.dma_semaphore, #tpu.memory_space<semaphore_mem>>) src(%dma_wait3A_58 : memref<200xi32, #tpu.memory_space<hbm>>) dst(%arg8 : memref<200xi32, #tpu.memory_space<vmem>>)
        tpu.yield
      }) : () -> ()
      "tpu.region"() ({
        %run_scoped3A = tpu.sem_alloc : memref<!tpu.dma_semaphore, #tpu.memory_space<semaphore_mem>>
        %dma_start3A = arith.constant 0 : i32
        %dma_start3A_57 = arith.constant 0 : i32
        %dma_start3A_58 = tpu.memref_slice %arg10[%dma_start3A, %dma_start3A_57] : memref<10000x128xf32, #tpu.memory_space<vmem_shared>> -> memref<10000x128xf32, #tpu.memory_space<vmem_shared>>
        tpu.enqueue_indirect_dma source(%arg9 : memref<200x128xf32, #tpu.memory_space<vmem>>) target(%dma_start3A_58 : memref<10000x128xf32, #tpu.memory_space<vmem_shared>>) offsets(%arg8 : memref<200xi32, #tpu.memory_space<vmem>>) semaphore(%run_scoped3A : memref<!tpu.dma_semaphore, #tpu.memory_space<semaphore_mem>>) {add = true}
        %dma_wait3A = arith.constant 0 : i32
        %dma_wait3A_59 = arith.constant 0 : i32
        %dma_wait3A_60 = tpu.memref_slice %arg10[%dma_wait3A, %dma_wait3A_59] : memref<10000x128xf32, #tpu.memory_space<vmem_shared>> -> memref<10000x128xf32, #tpu.memory_space<vmem_shared>>
        tpu.wait_indirect_dma semaphore(%run_scoped3A : memref<!tpu.dma_semaphore, #tpu.memory_space<semaphore_mem>>) src(%arg9 : memref<200x128xf32, #tpu.memory_space<vmem>>) dst(%dma_wait3A_60 : memref<10000x128xf32, #tpu.memory_space<vmem_shared>>)
        tpu.yield
      }) : () -> ()
    }
    %scan3A_41 = arith.constant 50 : i32
    %barrier3A_42 = arith.constant 0 : index
    tpu.barrier barrier_id(%barrier3A_42)
    %lt3A_43 = arith.constant 15 : i32
    %lt3A_44 = arith.cmpi slt, %arg1, %lt3A_43 : i32
    %convert_element_type3A_45 = arith.extui %lt3A_44 : i1 to i32
    %cond3A_46 = arith.constant 0 : i32
    %cond3A_47 = arith.cmpi ne, %convert_element_type3A_45, %cond3A_46 : i32
    scf.if %cond3A_47 {
      %mul3A_53 = arith.constant 640 : i32
      %mul3A_54 = arith.muli %arg1, %mul3A_53 : i32
      %mul3A_55 = arith.constant 10000 : i32
      %mul3A_56 = arith.muli %arg0, %mul3A_55 : i32
      %mul3A_57 = arith.constant 640 : i32
      %mul3A_58 = arith.muli %arg1, %mul3A_57 : i32
      %add3A_59 = arith.addi %mul3A_56, %mul3A_58 : i32
      "tpu.region"() ({
        %run_scoped3A = tpu.sem_alloc : memref<!tpu.dma_semaphore, #tpu.memory_space<semaphore_mem>>
        %dma_start3A = arith.constant 0 : i32
        %dma_start3A_60 = tpu.memref_slice %arg7[%add3A_59, %dma_start3A] : memref<20000x128xf32, #tpu.memory_space<hbm>> -> memref<640x128xf32, #tpu.memory_space<hbm>>
        %dma_start3A_61 = arith.constant 0 : i32
        %dma_start3A_62 = tpu.memref_slice %arg10[%mul3A_54, %dma_start3A_61] : memref<10000x128xf32, #tpu.memory_space<vmem_shared>> -> memref<640x128xf32, #tpu.memory_space<vmem_shared>>
        tpu.enqueue_dma source(%dma_start3A_62 : memref<640x128xf32, #tpu.memory_space<vmem_shared>>) target(%dma_start3A_60 : memref<640x128xf32, #tpu.memory_space<hbm>>) target_semaphore(%run_scoped3A : memref<!tpu.dma_semaphore, #tpu.memory_space<semaphore_mem>>)
        %dma_wait3A = arith.constant 0 : i32
        %dma_wait3A_63 = tpu.memref_slice %arg7[%add3A_59, %dma_wait3A] : memref<20000x128xf32, #tpu.memory_space<hbm>> -> memref<640x128xf32, #tpu.memory_space<hbm>>
        %dma_wait3A_64 = arith.constant 0 : i32
        %dma_wait3A_65 = tpu.memref_slice %arg10[%mul3A_54, %dma_wait3A_64] : memref<10000x128xf32, #tpu.memory_space<vmem_shared>> -> memref<640x128xf32, #tpu.memory_space<vmem_shared>>
        tpu.wait_dma2 semaphore(%run_scoped3A : memref<!tpu.dma_semaphore, #tpu.memory_space<semaphore_mem>>) src(%dma_wait3A_65 : memref<640x128xf32, #tpu.memory_space<vmem_shared>>) dst(%dma_wait3A_63 : memref<640x128xf32, #tpu.memory_space<hbm>>)
        tpu.yield
      }) : () -> ()
    } else {
    }
    %eq3A_48 = arith.constant 15 : i32
    %eq3A_49 = arith.cmpi eq, %arg1, %eq3A_48 : i32
    %convert_element_type3A_50 = arith.extui %eq3A_49 : i1 to i32
    %cond3A_51 = arith.constant 0 : i32
    %cond3A_52 = arith.cmpi ne, %convert_element_type3A_50, %cond3A_51 : i32
    scf.if %cond3A_52 {
      %mul3A_53 = arith.constant 10000 : i32
      %mul3A_54 = arith.muli %arg0, %mul3A_53 : i32
      %add3A_55 = arith.constant 9600 : i32
      %add3A_56 = arith.addi %mul3A_54, %add3A_55 : i32
      "tpu.region"() ({
        %run_scoped3A = tpu.sem_alloc : memref<!tpu.dma_semaphore, #tpu.memory_space<semaphore_mem>>
        %dma_start3A = arith.constant 0 : i32
        %dma_start3A_57 = tpu.memref_slice %arg7[%add3A_56, %dma_start3A] : memref<20000x128xf32, #tpu.memory_space<hbm>> -> memref<400x128xf32, #tpu.memory_space<hbm>>
        %dma_start3A_58 = arith.constant 9600 : i32
        %dma_start3A_59 = arith.constant 0 : i32
        %dma_start3A_60 = tpu.memref_slice %arg10[%dma_start3A_58, %dma_start3A_59] : memref<10000x128xf32, #tpu.memory_space<vmem_shared>> -> memref<400x128xf32, #tpu.memory_space<vmem_shared>>
        tpu.enqueue_dma source(%dma_start3A_60 : memref<400x128xf32, #tpu.memory_space<vmem_shared>>) target(%dma_start3A_57 : memref<400x128xf32, #tpu.memory_space<hbm>>) target_semaphore(%run_scoped3A : memref<!tpu.dma_semaphore, #tpu.memory_space<semaphore_mem>>)
        %dma_wait3A = arith.constant 0 : i32
        %dma_wait3A_61 = tpu.memref_slice %arg7[%add3A_56, %dma_wait3A] : memref<20000x128xf32, #tpu.memory_space<hbm>> -> memref<400x128xf32, #tpu.memory_space<hbm>>
        %dma_wait3A_62 = arith.constant 9600 : i32
        %dma_wait3A_63 = arith.constant 0 : i32
        %dma_wait3A_64 = tpu.memref_slice %arg10[%dma_wait3A_62, %dma_wait3A_63] : memref<10000x128xf32, #tpu.memory_space<vmem_shared>> -> memref<400x128xf32, #tpu.memory_space<vmem_shared>>
        tpu.wait_dma2 semaphore(%run_scoped3A : memref<!tpu.dma_semaphore, #tpu.memory_space<semaphore_mem>>) src(%dma_wait3A_64 : memref<400x128xf32, #tpu.memory_space<vmem_shared>>) dst(%dma_wait3A_61 : memref<400x128xf32, #tpu.memory_space<hbm>>)
        tpu.yield
      }) : () -> ()
    } else {
    }
    return
  }
}

</mosaic_0001>

<sc_bundles>
// kernel: _sc_degrees.3.cloned.1.call-start
scs
__scs_entry_jumppad:
0x0: {  	(pc) =	sbr.rel $0x88, $3  }
0x1: {  	(tag) =	ssettag $0x0;
	lr =	simm.s32 $0x1  }
0x2: {  	[smem:$0x3F9D] =	sst lr;
	_ =	strace $0xD0000000  }
0x3: {  	_ = 	snop  }
0x4: {  	_ = 	snop  }
0x5: {  	_ = 	snop  }
0x6: {  	_ = 	snop  }
0x7: {  	_ = 	snop  }
__scs_overlays_trampoline_lowered:
0x8: {  	[smem:$0x3FAC] =	sst s0  }
0x9: {  	[smem:$0x3FAD] =	sst s1  }
0xa: {  	[smem:$0x3FAE] =	sst s2  }
0xb: {  	[smem:$0x3FAF] =	sst s3  }
0xc: {  	[smem:$0x3FB0] =	sst s4  }
0xd: {  	[smem:$0x3FB1] =	sst s5  }
0xe: {  	[smem:$0x3FB2] =	sst s6  }
0xf: {  	[smem:$0x3FB3] =	sst s7  }
0x10: {  	[smem:$0x3FB4] =	sst s8  }
0x11: {  	[smem:$0x3FB5] =	sst s9;
	s0 =	simm.s32 @!p0 $0x0  }
0x12: {  	s1 =	sld [smem:$0x3F9B];
	s0 =	simm.s32 @p0 $0x1  }
0x13: {  	[smem:$0x3FB6] =	sst s0;
	s0 =	simm.s32 @!p1 $0x0  }
0x14: {  	s2 =	sld [smem:$0x3F9A];
	s0 =	simm.s32 @p1 $0x1  }
0x15: {  	[smem:$0x3FB7] =	sst s0;
	s0 =	simm.s32 @!p2 $0x0  }
0x16: {  	s3 =	sld [smem:$0x3FDB];
	s0 =	simm.s32 @p2 $0x1  }
0x17: {  	s4 =	simm.s32 $0x1BF5;
	[smem:$0x3FB9] =	sst s0  }
0x18: {  	s0 =	sld [smem:$0x3F9C];
	_ =	swait.ge [sflag:s4], $0x0  }
0x19: {  	s7 =	sld [smem:$0x3F9D]  }
0x1a: {  	s8 =	sadd.s32 $0xFFFFE003, lr  }
0x1b: {  	s9 =	sadd.s32 $0xFFFFFEF7, lr;
	s5 =	simm.s32 $0xFFFFFFFF;
	p2 =	slt.u32 s8, $0xFFFFF086  }
0x1c: {  	p1 =	slt.u32 s9, $0xF7A;
	s5 =	simm.s32 @!p2 $0x0  }
0x1d: {  	s5 =	simm.s32 @p1 $0x1;
	p0 =	seq.s32 s7, s2  }
0x1e: {  	s7 =	smul.u32 @!p0 $0xF7A, s2;
	p2 =	seq.s32 @!p0 s5, $0x0  }
0x1f: {  	s9 =	smul.u32 $0xF7A, s1;
	s8 =	simm.s32 @!p0 $0x1BF5;
	p2 =	por !p2, p0  }
0x20: {  	[sflag:s8] =	ssyncset.s32 @!p0 $0xFFFFF086;
	s6 =	sadd.s32 @!p0 s3, s7;
	s7 =	simm.s32 @!p0 $0x108  }
0x21: {  	s3 =	sadd.s32 s3, s9;
	s6 =	sadd.s32 @!p0 $0x88, s6;
	s7 =	simm.s32 @p2 $0x1082  }
0x22: {  	[simem:s7], [sflag:s8] =	dma.local @!p0 [hbm:s6], $0xF7A  }
0x23: {  	s9 =	sor.u32 $0xD0000000, s2;
	s6 =	simm.s32 $0x108;
	_ =	swait.ge @!p0 [sflag:s8], $0x0  }
0x24: {  	s3 =	sadd.s32 $0x88, s3;
	s6 =	simm.s32 @!p1 $0x1082;
	[sflag:s4] =	ssyncset.s32 $0xFFFFF086  }
0x25: {  	[simem:s6], [sflag:s4] =	dma.local [hbm:s3], $0xF7A  }
0x26: {  	[smem:$0x3F9D] =	sst s1;
	(tag) =	ssettag s2;
	_ =	strace s9  }
0x27: {  	s1 =	sld [smem:$0x3FAD]  }
0x28: {  	s2 =	sld [smem:$0x3FAE]  }
0x29: {  	s4 =	sld [smem:$0x3FB0]  }
0x2a: {  	p0 =	seq.s32 s5, $0x0;
	s5 =	sld [smem:$0x3FB1]  }
0x2b: {  	s6 =	sld [smem:$0x3FB2]  }
0x2c: {  	s7 =	sld [smem:$0x3FB3]  }
0x2d: {  	s3 =	simm.s32 $0x108;
	s8 =	sld [smem:$0x3FB4]  }
0x2e: {  	s3 =	simm.s32 @!p0 $0x1082;
	s9 =	sld [smem:$0x3FB5]  }
0x2f: {  	lr =	sadd.s32 s0, s3;
	s0 =	sld [smem:$0x3FAC]  }
0x30: {  	s3 =	sld [smem:$0x3FAF]  }
0x31: {  	[smem:$0x3FB8] =	sst s10  }
0x32: {  	s10 =	sld [smem:$0x3FB6];
	_ =	sdelay $0x3  }
0x33: {  	p0 =	seq.s32 s10, $0x1;
	s10 =	sld [smem:$0x3FB8];
	_ =	sdelay $0x3  }
0x34: {  	[smem:$0x3FB8] =	sst s10  }
0x35: {  	s10 =	sld [smem:$0x3FB7];
	_ =	sdelay $0x3  }
0x36: {  	p1 =	seq.s32 s10, $0x1;
	s10 =	sld [smem:$0x3FB8];
	_ =	sdelay $0x3  }
0x37: {  	[smem:$0x3FB8] =	sst s10  }
0x38: {  	s10 =	sld [smem:$0x3FB9]  }
0x39: {  	_ = 	snop;
	(pc) =	sbr.ind lr, $3  }
0x3a: {  	_ = 	snop  }
0x3b: {  	_ = 	snop  }
0x3c: {  	p2 =	seq.s32 s10, $0x1;
	s10 =	sld [smem:$0x3FB8]  }
0x3d: {  	_ =	shalt  }
0x3e: {  	_ =	shalt  }
0x3f: {  	_ =	shalt  }
0x40: {  	_ =	shalt  }
0x41: {  	_ =	shalt  }
0x42: {  	_ =	shalt  }
0x43: {  	_ =	shalt  }
0x44: {  	_ =	shalt  }
0x45: {  	_ =	shalt  }
0x46: {  	_ =	shalt  }
0x47: {  	_ =	shalt  }
0x48: {  	_ =	shalt  }
0x49: {  	_ =	shalt  }
0x4a: {  	_ =	shalt  }
0x4b: {  	_ =	shalt  }
0x4c: {  	_ =	shalt  }
0x4d: {  	_ =	shalt  }
0x4e: {  	_ =	shalt  }
0x4f: {  	_ =	shalt  }
0x50: {  	_ =	shalt  }
0x51: {  	_ =	shalt  }
0x52: {  	_ =	shalt  }
0x53: {  	_ =	shalt  }
0x54: {  	_ =	shalt  }
0x55: {  	_ =	shalt  }
0x56: {  	_ =	shalt  }
0x57: {  	_ =	shalt  }
0x58: {  	_ =	shalt  }
0x59: {  	_ =	shalt  }
0x5a: {  	_ =	shalt  }
0x5b: {  	_ =	shalt  }
0x5c: {  	_ =	shalt  }
0x5d: {  	_ =	shalt  }
0x5e: {  	_ =	shalt  }
0x5f: {  	_ =	shalt  }
0x60: {  	_ =	shalt  }
0x61: {  	_ =	shalt  }
0x62: {  	_ =	shalt  }
0x63: {  	_ =	shalt  }
0x64: {  	_ =	shalt  }
0x65: {  	_ =	shalt  }
0x66: {  	_ =	shalt  }
0x67: {  	_ =	shalt  }
0x68: {  	_ =	shalt  }
0x69: {  	_ =	shalt  }
0x6a: {  	_ =	shalt  }
0x6b: {  	_ =	shalt  }
0x6c: {  	_ =	shalt  }
0x6d: {  	_ =	shalt  }
0x6e: {  	_ =	shalt  }
0x6f: {  	_ =	shalt  }
0x70: {  	_ =	shalt  }
0x71: {  	_ =	shalt  }
0x72: {  	_ =	shalt  }
0x73: {  	_ =	shalt  }
0x74: {  	_ =	shalt  }
0x75: {  	_ =	shalt  }
0x76: {  	_ =	shalt  }
0x77: {  	_ =	shalt  }
0x78: {  	_ =	shalt  }
0x79: {  	_ =	shalt  }
0x7a: {  	_ =	shalt  }
0x7b: {  	_ =	shalt  }
0x7c: {  	_ =	shalt  }
0x7d: {  	_ =	shalt  }
0x7e: {  	_ =	shalt  }
0x7f: {  	_ =	shalt  }
0x80: {  	_ =	shalt  }
0x81: {  	_ =	shalt  }
0x82: {  	_ =	shalt  }
0x83: {  	_ =	shalt  }
0x84: {  	_ =	shalt  }
0x85: {  	_ =	shalt  }
0x86: {  	_ =	shalt  }
0x87: {  	_ =	shalt  }
.Lfunc_end0:
.L_simem_size_0:
called_computation_lowered:
.L_overlay_start_0:
0x88: {  	s2 =	sld [smem:$0x3FD9]  }
0x89: {  	s3 =	sld [smem:$0x3FFE];
	_ =	sdelay $0x1  }
0x8a: {  	s1 =	srdreg.scid  }
0x8b: {  	s0 =	sand.u32 $0x1, s1  }
0x8c: {  	s15 =	sshll.u32 s0, $0xA;
	s2 =	sadd.s32 s3, s2  }
0x8d: {  	s2 =	sadd.s32 s2, s15  }
0x8e: {  	[smem:$0x3FC4] =	sst s2  }
0x8f: {  	_ = 	snop  }
0x90: {  	s2 =	sld [smem:$0x3FC9]  }
0x91: {  	s16 =	sld [smem:$0x3FD0]  }
0x92: {  	s4 =	sld [smem:$0x3FC8]  }
0x93: {  	s5 =	sld [smem:$0x3FC7]  }
0x94: {  	s7 =	simm.s32 $0xA;
	s8 =	simm.s32 $0x10;
	s6 =	sld [smem:$0x3FC6]  }
0x95: {  	[smem:s8], [sflag:s7] =	dma.local [hbm:s16], $0x1  }
0x96: {  	_ =	swait.eq [sflag:s7], $0x1  }
0x97: {  	[sflag:s7] =	ssyncset.done $0x0  }
0x98: {  	s17 =	sld [smem:$0x10];
	[sflag:s7] =	ssyncadd.s32 $0xFFFFFFFF  }
0x99: {  	s18 =	sld [smem:$0x11];
	(tm) =	ssettm $0x1  }
0x9a: {  	s19 =	sld [smem:$0x3FFB];
	_ =	sdelay $0x3  }
0x9b: {  	_ =	strace s19  }
0x9c: {  	s8 =	sld [smem:$0x3FFC];
	_ =	sdelay $0x3  }
0x9d: {  	_ =	strace s8  }
0x9e: {  	s8 =	sld [smem:$0x3FFD];
	_ =	sdelay $0x3  }
0x9f: {  	_ =	strace s8  }
0xa0: {  	_ =	strace $0x8FFFFFFF  }
0xa1: {  	s20 =	sld [smem:$0x3FDB];
	_ =	sdelay $0x1  }
0xa2: {  	s9 =	simm.s32 $_scs_section_size  }
0xa3: {  	s10 =	simm.s32 $_size__tile_overlayer_lowered;
	s11 =	simm.s32 $_tile_overlayer_lowered  }
0xa4: {  	s23 =	simm.s32 $0x1BFF;
	s22 =	sshll.u32 s11, $0x1;
	s8 =	sadd.s32 s9, s20  }
0xa5: {  	s12 =	simm.s32 $0x0;
	s21 =	sshll.u32 s10, $0x1;
	s10 =	sadd.s32 s22, s8  }
0xa6: {  	[timem:s12], [sflag:s23] =	dma.local [hbm:s10], s21  }
0xa7: {  	_ =	swait.ge [sflag:s23], s21  }
0xa8: {  	s9 =	ssub.s32 $0x0, s21;
	[sflag:s23] =	ssyncset.done $0x0  }
0xa9: {  	[sflag:s23] =	ssyncadd.s32 s9;
	_ =	sdelay $0x1  }
0xaa: {  	s24 =	simm.s32 $0x1B8B  }
0xab: {  	_ =	swait.ge [sflag:s24], $0x1  }
0xac: {  	[sflag:s24] =	ssyncset.done $0x0  }
0xad: {  	s25 =	simm.s32 $0x1B8E;
	[sflag:s24] =	ssyncadd.s32 $0xFFFFFFFF  }
0xae: {  	s26 =	simm.s32 $execute0_lowered;
	[smem:$0x3FD2] =	sst s25  }
0xaf: {  	s9 =	sshll.u32 s26, $0x1;
	_ =	strace $0x80000046;
	[dreg:$0x1] =	wrdreg $0xFFFFFFFF  }
0xb0: {  	s28 =	simm.s32 $_size_execute0_lowered;
	s8 =	sadd.s32 s8, s9;
	[dreg:$0x0] =	wrdreg $0x0  }
0xb1: {  	s9 =	sshll.u32 s28, $0x1;
	[dreg:$0x2] =	wrdreg s8  }
0xb2: {  	[dreg:$0x3] =	wrdreg s9  }
0xb3: {  	[dreg:$0x4] =	wrdreg $0xC0  }
0xb4: {  	_ =	task [dreg:s12], $0x5FFFF  }
0xb5: {  	[dreg:$0x1] =	wrdreg $0xFFFFFFFF  }
0xb6: {  	[dreg:$0x0] =	wrdreg $0x60  }
0xb7: {  	[dreg:$0x2] =	wrdreg s2  }
0xb8: {  	[dreg:$0x3] =	wrdreg s4  }
0xb9: {  	[dreg:$0x4] =	wrdreg s5  }
0xba: {  	[dreg:$0x5] =	wrdreg s6  }
0xbb: {  	[dreg:$0x6] =	wrdreg s17  }
0xbc: {  	[dreg:$0x7] =	wrdreg s18  }
0xbd: {  	[dreg:$0x8] =	wrdreg $0x65000  }
0xbe: {  	[dreg:$0x9] =	wrdreg $0x9  }
0xbf: {  	_ =	task.clear_ibuf [dreg:s12], $0xAFFFF;
	_ =	strace $0x90000046  }
0xc0: {  	s29 =	simm.s32 $0x9;
	_ =	strace $0x80000048  }
0xc1: {  	_ =	swait.ge [sflag:s29], $0x1  }
0xc2: {  	[sflag:s29] =	ssyncadd.s32 $0xFFFFFFFF  }
0xc3: {  	_ =	strace $0x90000048  }
0xc4: {  	_ =	sfence  }
0xc5: {  	s30 =	sld [smem:$0x0];
	_ =	sdelay $0x2  }
0xc6: {  	s31 =	sshll.u32 s1, $0xD;
	s1 =	sshrl.u32 s1, $0x2  }
0xc7: {  	s3 =	sand.u32 $0x4000, s31;
	s1 =	sadd.s32 s1, s30  }
0xc8: {  	s0 =	sor.u32 s3, s0;
	s1 =	sshll.u32 s1, $0x11  }
0xc9: {  	s0 =	sor.u32 s1, s0  }
0xca: {  	s0 =	sadd.s32 $0x8F2B, s0  }
0xcb: {  	[sflag:s0] =	ssyncadd.remote.s32 $0x1  }
0xcc: {  	_ =	sfence.sel $0xFFFF  }
0xcd: {  	[dreg:$0x0] =	wrdreg $0xFFFFFFFF;
	(pc) =	sbr.abs _section_cstart, $3  }
0xce: {  	[dreg:$0x1] =	wrdreg $0xFFFFFFFF  }
0xcf: {  	_ =	task.clear_ibuf [dreg:s12], $0x2FFFF;
	_ =	strace $0x9FFFFFFF  }
0xd0: {  	(tm) =	ssettm $0x7FFFFFFF  }
0xd1: {  	_ =	shalt  }
tec
execute0_lowered:
.L_overlay_start_1:
0x0: {  	(tag) =	ssettag $0x1  }
0x1: {  	s11 =	rddreg [dreg:$0x0]  }
0x2: {  	s12 =	rddreg [dreg:$0x1]  }
0x3: {  	s1 =	rddreg [dreg:$0x2]  }
0x4: {  	s2 =	rddreg [dreg:$0x3]  }
0x5: {  	s7 =	rddreg [dreg:$0x4]  }
0x6: {  	s9 =	rddreg [dreg:$0x5]  }
0x7: {  	s4 =	rddreg [dreg:$0x6]  }
0x8: {  	s0 =	rddreg [dreg:$0x7]  }
0x9: {  	s6 =	srdreg.scid;
	s3 =	stileid.u32  }
0xa: {  	s5 =	simm.s32 $0x0;
	s18 =	simm.s32 $0xC8;
	s8 =	smul.u32 $0x50000, s3  }
0xb: {  	s19 =	simm.s32 $0x0;
	s6 =	sand.u32 $0x1, s6;
	s30 =	smul.u32 $0x2800, s3  }
0xc: {  	[smem:$0x7FF] =	sst s5;
	s31 =	smul.u32 $0x2710, s3;
	s15 =	sadd.s32 $0x12C000, s4  }
0xd: {  	p0 =	seq.s32 s3, $0xF;
	s10 =	ssub.s32 $0x2, s6;
	s13 =	smul.u32 $0x27100, s6  }
0xe: {  	_ =	strace $0x80000047;
	s6 =	smul.u32 $0x138800, s6;
	s14 =	sshrl.u32 s10, $0x1  }
0xf: {  	s15 =	sshrl.u32 @p0 s15, $0x3;
	s8 =	sshrl.u32 s8, $0x2;
	s10 =	ssub.s32 s10, s14  }
0x10: {  	s17 =	sadd.s32 s8, s4;
	s6 =	sshrl.u32 s6, $0x3;
	s14 =	sadd.s32 s30, s13  }
0x11: {  	s13 =	sadd.s32 s31, s13;
	s16 =	sadd.s32 $0x25800, s6;
	s6 =	sadd.s32 s7, s14  }
0x12: {  	s8 =	sadd.s32 s9, s14;
	s13 =	sshrl.u32 s13, $0x3;
	s10 =	smax.u32 s10, $0x1  }
0x13: {  	s14 =	simm.s32 $0x1;
	s17 =	sshrl.u32 @!p0 s17, $0x3;
	s7 =	sadd.s32 s7, s16  }
0x14: {  	s9 =	sadd.s32 s9, s16;
	s11 =	sadd.s32 s13, s11;
	s16 =	sshll.u32 @!p0 s3, $0x6  }
0x15: {  	s12 =	sadd.s32 s13, s12;
	s13 =	simm.s32 $0x100;
	s16 =	sor.u32 @!p0 $0x1C01, s16  }
.LBB2_1:
0x16: {  	[tilespmem:s13], [sflag:$0x1] =	stream.linear.gather [hbm4b:s1+s5], $0x6400, $0x38;
	[tilespmem:$0x19D80] =	vst v63  }
0x17: {  	_ =	swait.ge [sflag:s14], $0x6400  }
0x18: {  	[sflag:s14] =	ssyncset.done $0x0  }
0x19: {  	s20 =	simm.s32 @p0 $0x1FC1;
	[sflag:s14] =	ssyncadd.s32 $0xFFFF9C00  }
0x1a: {  	[spmem:s15], [sflag:s20] =	dma.local @p0 [hbm:s2], $0x1900  }
0x1b: {  	s20 =	simm.s32 @p0 $0x1  }
0x1c: {  	_ =	swait.ge @p0 [sflag:s20], $0x1900  }
0x1d: {  	[sflag:s20] =	ssyncset.done @p0 $0x0  }
0x1e: {  	[sflag:s20] =	ssyncadd.s32 @p0 $0xFFFFE700;
	s20 =	simm.s32 @!p0 $0x1  }
0x1f: {  	[spmem:s17], [sflag:s16] =	dma.local @!p0 [hbm:s2], $0x2800  }
0x20: {  	_ =	swait.ge @!p0 [sflag:s20], $0x2800  }
0x21: {  	[sflag:s20] =	ssyncset.done @!p0 $0x0  }
0x22: {  	[sflag:s20] =	ssyncadd.s32 @!p0 $0xFFFFD800  }
0x23: {  	s31 =	sadd.s32 $0x0, s11;
	[bflag:$0x0] =	sbarrier.arrive $0xFFFF  }
0x24: {  	[tilespmem:s5], [sflag:$0x1] =	stream.linear.gather [hbm4b:s31+s5], $0xC8, $0x38;
	[tilespmem:$0x19D80] =	vst v63  }
0x25: {  	_ =	swait.ge [sflag:s14], $0xC8  }
0x26: {  	[sflag:s14] =	ssyncset.done $0x0  }
0x27: {  	[sflag:s14] =	ssyncadd.s32 $0xFFFFFF38  }
0x28: {  	[spmem:s4] =	stream.indirect.scatter.add.f32 [tilespmem:s13], [sflag:$0x1], $0x80, s5, s18, $0xb8;
	[tilespmem:$0x19D80] =	vst v63  }
0x29: {  	_ =	swait.ge [sflag:s14], $0x6400  }
0x2a: {  	s21 =	simm.s32 $0x32;
	s20 =	simm.s32 $0x19;
	[sflag:s14] =	ssyncset.done $0x0  }
.LBB2_2:
0x2b: {  	s22 =	sadd.s32 s20, s11  }
0x2c: {  	[sflag:s14] =	ssyncadd.s32 $0xFFFF9C00;
	s20 =	smov.u32 s21;
	s23 =	sadd.s32 $0x19, s21  }
0x2d: {  	[tilespmem:s5], [sflag:$0x1] =	stream.linear.gather [hbm4b:s22+s5], $0xC8, $0x38;
	[tilespmem:$0x19D80] =	vst v63  }
0x2e: {  	p1 =	sne.s32 s21, $0x4C9;
	_ =	swait.ge [sflag:s14], $0xC8  }
.Ltmp0:
0x2f: {  	[sflag:s14] =	ssyncset.done $0x0;
	(pc) =	sbr.rel @p1 .LBB2_2-.Ltmp0, $4  }
0x30: {  	[sflag:s14] =	ssyncadd.s32 $0xFFFFFF38  }
0x31: {  	[spmem:s4] =	stream.indirect.scatter.add.f32 [tilespmem:s13], [sflag:$0x1], $0x80, s5, s18, $0xb8;
	[tilespmem:$0x19D80] =	vst v63  }
0x32: {  	_ =	swait.ge [sflag:s14], $0x6400  }
0x33: {  	s21 =	smov.u32 s23;
	[sflag:s14] =	ssyncset.done $0x0  }
0x34: {  	s20 =	sadd.s32 s20, s11;
	[sflag:s14] =	ssyncadd.s32 $0xFFFF9C00  }
0x35: {  	[tilespmem:s5], [sflag:$0x1] =	stream.linear.gather [hbm4b:s20+s5], $0xC8, $0x38;
	[tilespmem:$0x19D80] =	vst v63  }
0x36: {  	_ =	swait.ge [sflag:s14], $0xC8  }
0x37: {  	[sflag:s14] =	ssyncset.done $0x0  }
0x38: {  	[sflag:s14] =	ssyncadd.s32 $0xFFFFFF38  }
0x39: {  	[spmem:s4] =	stream.indirect.scatter.add.f32 [tilespmem:s13], [sflag:$0x1], $0x80, s5, s18, $0xb8;
	[tilespmem:$0x19D80] =	vst v63  }
0x3a: {  	_ =	swait.ge [sflag:s14], $0x6400  }
0x3b: {  	[sflag:s14] =	ssyncset.done $0x0  }
0x3c: {  	[sflag:s14] =	ssyncadd.s32 $0xFFFF9C00  }
0x3d: {  	s21 =	simm.s32 @p0 $0x1;
	s20 =	simm.s32 @p0 $0x1FC1;
	[bflag:$0x0] =	sbarrier.arrive $0xFFFF  }
0x3e: {  	[hbm:s7], [sflag:s20] =	dma.local @p0 [spmem:s15], $0x1900  }
0x3f: {  	_ =	swait.ge @p0 [sflag:s21], $0x1900  }
0x40: {  	[sflag:s21] =	ssyncset.done @p0 $0x0  }
0x41: {  	[sflag:s21] =	ssyncadd.s32 @p0 $0xFFFFE700  }
0x42: {  	[spmem:s15], [sflag:s20] =	dma.local @p0 [hbm:s2], $0x1900  }
0x43: {  	_ =	swait.ge @p0 [sflag:s21], $0x1900  }
0x44: {  	[sflag:s21] =	ssyncset.done @p0 $0x0  }
0x45: {  	s20 =	simm.s32 @!p0 $0x1;
	[sflag:s21] =	ssyncadd.s32 @p0 $0xFFFFE700  }
0x46: {  	[hbm:s6], [sflag:s16] =	dma.local @!p0 [spmem:s17], $0x2800  }
0x47: {  	_ =	swait.ge @!p0 [sflag:s20], $0x2800  }
0x48: {  	[sflag:s20] =	ssyncset.done @!p0 $0x0  }
0x49: {  	[sflag:s20] =	ssyncadd.s32 @!p0 $0xFFFFD800  }
0x4a: {  	[spmem:s17], [sflag:s16] =	dma.local @!p0 [hbm:s2], $0x2800  }
0x4b: {  	_ =	swait.ge @!p0 [sflag:s20], $0x2800  }
0x4c: {  	[sflag:s20] =	ssyncset.done @!p0 $0x0  }
0x4d: {  	[sflag:s20] =	ssyncadd.s32 @!p0 $0xFFFFD800  }
0x4e: {  	s31 =	sadd.s32 $0x0, s12;
	[bflag:$0x0] =	sbarrier.arrive $0xFFFF  }
0x4f: {  	[tilespmem:s5], [sflag:$0x1] =	stream.linear.gather [hbm4b:s31+s5], $0xC8, $0x38;
	[tilespmem:$0x19D80] =	vst v63  }
0x50: {  	_ =	swait.ge [sflag:s14], $0xC8  }
0x51: {  	[sflag:s14] =	ssyncset.done $0x0  }
0x52: {  	[sflag:s14] =	ssyncadd.s32 $0xFFFFFF38  }
0x53: {  	[spmem:s4] =	stream.indirect.scatter.add.f32 [tilespmem:s13], [sflag:$0x1], $0x80, s5, s18, $0xb8;
	[tilespmem:$0x19D80] =	vst v63  }
0x54: {  	_ =	swait.ge [sflag:s14], $0x6400  }
0x55: {  	s21 =	simm.s32 $0x32;
	s20 =	simm.s32 $0x19;
	[sflag:s14] =	ssyncset.done $0x0  }
.LBB2_4:
0x56: {  	s22 =	sadd.s32 s20, s12  }
0x57: {  	[sflag:s14] =	ssyncadd.s32 $0xFFFF9C00;
	s20 =	smov.u32 s21;
	s23 =	sadd.s32 $0x19, s21  }
0x58: {  	[tilespmem:s5], [sflag:$0x1] =	stream.linear.gather [hbm4b:s22+s5], $0xC8, $0x38;
	[tilespmem:$0x19D80] =	vst v63  }
0x59: {  	p1 =	sne.s32 s21, $0x4C9;
	_ =	swait.ge [sflag:s14], $0xC8  }
.Ltmp1:
0x5a: {  	[sflag:s14] =	ssyncset.done $0x0;
	(pc) =	sbr.rel @p1 .LBB2_4-.Ltmp1, $4  }
0x5b: {  	[sflag:s14] =	ssyncadd.s32 $0xFFFFFF38  }
0x5c: {  	[spmem:s4] =	stream.indirect.scatter.add.f32 [tilespmem:s13], [sflag:$0x1], $0x80, s5, s18, $0xb8;
	[tilespmem:$0x19D80] =	vst v63  }
0x5d: {  	_ =	swait.ge [sflag:s14], $0x6400  }
0x5e: {  	s21 =	smov.u32 s23;
	[sflag:s14] =	ssyncset.done $0x0  }
0x5f: {  	s20 =	sadd.s32 s20, s12;
	[sflag:s14] =	ssyncadd.s32 $0xFFFF9C00  }
0x60: {  	[tilespmem:s5], [sflag:$0x1] =	stream.linear.gather [hbm4b:s20+s5], $0xC8, $0x38;
	[tilespmem:$0x19D80] =	vst v63  }
0x61: {  	_ =	swait.ge [sflag:s14], $0xC8  }
0x62: {  	[sflag:s14] =	ssyncset.done $0x0  }
0x63: {  	[sflag:s14] =	ssyncadd.s32 $0xFFFFFF38  }
0x64: {  	[spmem:s4] =	stream.indirect.scatter.add.f32 [tilespmem:s13], [sflag:$0x1], $0x80, s5, s18, $0xb8;
	[tilespmem:$0x19D80] =	vst v63  }
0x65: {  	_ =	swait.ge [sflag:s14], $0x6400  }
0x66: {  	[sflag:s14] =	ssyncset.done $0x0  }
0x67: {  	[sflag:s14] =	ssyncadd.s32 $0xFFFF9C00  }
0x68: {  	s20 =	simm.s32 @p0 $0x1FC1;
	[bflag:$0x0] =	sbarrier.arrive $0xFFFF  }
0x69: {  	[hbm:s9], [sflag:s20] =	dma.local @p0 [spmem:s15], $0x1900  }
0x6a: {  	s20 =	simm.s32 @p0 $0x1  }
0x6b: {  	s19 =	sadd.s32 $0x1, s19;
	_ =	swait.ge @p0 [sflag:s20], $0x1900  }
0x6c: {  	p1 =	sne.s32 s19, s10;
	[sflag:s20] =	ssyncset.done @p0 $0x0  }
.Ltmp2:
0x6d: {  	[sflag:s20] =	ssyncadd.s32 @p0 $0xFFFFE700;
	s20 =	simm.s32 @!p0 $0x1;
	(pc) =	sbr.rel @p1 .LBB2_1-.Ltmp2, $4  }
0x6e: {  	[hbm:s8], [sflag:s16] =	dma.local @!p0 [spmem:s17], $0x2800  }
0x6f: {  	_ =	swait.ge @!p0 [sflag:s20], $0x2800  }
0x70: {  	[sflag:s20] =	ssyncset.done @!p0 $0x0  }
0x71: {  	[sflag:s20] =	ssyncadd.s32 @!p0 $0xFFFFD800  }
0x72: {  	_ =	sfence.sel $0x180000  }
0x73: {  	[bflag:$0x0] =	sbarrier.arrive $0xFFFF  }
0x74: {  	p0 =	sne.s32 s3, $0x0;
	_ =	strace $0x90000047  }
0x75: {  	s0 =	sadd.s32 @!p0 $0x100000, s0;
	[bflag:$0x2] =	sbarrier.arrive $0xFFFF  }
0x76: {  	[sflag:s0] =	ssyncadd.tile.s32 @!p0 $0x1;
	_ =	shalt  }
.Lfunc_end2:
_tile_overlayer_lowered:
.L_overlay_start_2:
0x77: {  	(tag) =	ssettag $0x2  }
0x78: {  	s0 =	rddreg [dreg:$0x0];
	s2 =	stileid.u32  }
0x79: {  	s1 =	rddreg [dreg:$0x1];
	p0 =	sne.s32 s2, $0x0  }
0x7a: {  	s3 =	rddreg [dreg:$0x2];
	[bflag:$0x3] =	sbarrier.arrive $0xFFFF;
	s2 =	simm.s32 @!p0 $0x1C01  }
0x7b: {  	[timem:s3], [sflag:s2] =	dma.local @!p0 [hbm:s0], s1  }
0x7c: {  	s0 =	simm.s32 @!p0 $0x1  }
0x7d: {  	_ =	swait.ge @!p0 [sflag:s0], s1  }
0x7e: {  	s1 =	ssub.s32 @!p0 $0x0, s1;
	[sflag:s0] =	ssyncset.done @!p0 $0x0  }
0x7f: {  	[sflag:s0] =	ssyncadd.s32 @!p0 s1  }
0x80: {  	[bflag:$0x3] =	sbarrier.arrive $0xFFFF  }
0x81: {  	_ =	shalt  }

</sc_bundles>
